<compile_context>
chip_gen: v7x
topology: tpu7x:2x2x1
jax: 0.10.2.dev20260603
libtpu: 0.0.44.dev20260713+nightly
codegen_flags: <defaults>
</compile_context>

<pallas_src>
import functools

import jax
import jax.numpy as jnp
from jax import lax
from jax.experimental import pallas as pl
from jax.experimental.pallas import tpu as pltpu
from jax.experimental.pallas import tpu_sc as plsc

B, T, O = 8, 512, 50
V, Dw, Dh, Dc, Dv, NC_CAT = 4900, 512, 512, 256, 2048, 91

SC_CORES, SC_SUBCORES = 2, 16
NW = SC_CORES * SC_SUBCORES

TB = 128
NT = T // TB


def _sc_gather(table, idx, n_rows, d):
    rpw = n_rows // NW
    mesh = plsc.VectorSubcoreMesh(
        core_axis_name="c", subcore_axis_name="s",
        num_cores=SC_CORES, num_subcores=SC_SUBCORES)

    @functools.partial(
        pl.kernel,
        mesh=mesh,
        out_type=jax.ShapeDtypeStruct((n_rows, d), jnp.float32),
        scratch_types=[
            pltpu.VMEM((rpw,), jnp.int32),
            pltpu.VMEM((rpw, d), jnp.float32),
            pltpu.SemaphoreType.DMA,
        ],
    )
    def k(table_hbm, idx_hbm, out_hbm, idx_v, rows_v, sem):
        wid = lax.axis_index("s") * SC_CORES + lax.axis_index("c")
        base = wid * rpw
        pltpu.sync_copy(idx_hbm.at[pl.ds(base, rpw)], idx_v)
        pltpu.async_copy(table_hbm.at[idx_v], rows_v, sem).wait()
        pltpu.sync_copy(rows_v, out_hbm.at[pl.ds(base, rpw)])

    return k(table, idx)


def _const_body(cats_ref, nobj_ref, cemb_ref, vf_ref, wvis_ref, bvis_ref,
                wihv_ref, wihc_ref, bih_ref, bhh_ref, out_ref):
    cats = cats_ref[...]
    iota_c = lax.broadcasted_iota(jnp.int32, (B, NC_CAT), 1)
    m = jnp.zeros((B, NC_CAT), jnp.float32)
    for o in range(O):
        m = m + (cats[:, o:o + 1] == iota_c).astype(jnp.float32)
    ssum = jnp.dot(m, cemb_ref[...], preferred_element_type=jnp.float32)
    add = ssum / nobj_ref[...]
    vis = jnp.tanh(
        jnp.dot(vf_ref[...], wvis_ref[...], preferred_element_type=jnp.float32)
        + bvis_ref[...])
    out_ref[...] = (
        jnp.dot(vis, wihv_ref[...], preferred_element_type=jnp.float32)
        + jnp.dot(add, wihc_ref[...], preferred_element_type=jnp.float32)
        + bih_ref[...] + bhh_ref[...])


def _scan_body(w_ref, wih_w_ref, whh_raw_ref, const_ref, hs_ref, xw_s, wihb_s,
               whh_s, hst_s, h_s, c_s):
    i = pl.program_id(0)

    @pl.when(i == 0)
    def _():
        h_s[...] = jnp.zeros_like(h_s)
        c_s[...] = jnp.zeros_like(c_s)
        wihb_s[...] = wih_w_ref[...].astype(jnp.bfloat16)
        whh_s[...] = whh_raw_ref[...].astype(jnp.bfloat16)

    xw_s[...] = (jnp.dot(w_ref[...].astype(jnp.bfloat16), wihb_s[...],
                         preferred_element_type=jnp.float32)
                 + jnp.tile(const_ref[...], (TB, 1)))

    whh = whh_s[...]

    def substep(t, h, c):
        g = (xw_s[pl.ds(t * B, B), :]
             + jnp.dot(h.astype(jnp.bfloat16), whh,
                       preferred_element_type=jnp.float32))
        gi = jax.nn.sigmoid(g[:, :Dh])
        gf = jax.nn.sigmoid(g[:, Dh:2 * Dh])
        gg = jnp.tanh(g[:, 2 * Dh:3 * Dh])
        go = jax.nn.sigmoid(g[:, 3 * Dh:])
        c2 = gf * c + gi * gg
        h2 = go * jnp.tanh(c2)
        hst_s[pl.ds(t * B, B), :] = h2
        return h2, c2

    def step(u, carry):
        h, c = carry
        h, c = substep(2 * u, h, c)
        h, c = substep(2 * u + 1, h, c)
        return h, c

    hN, cN = lax.fori_loop(0, TB // 2, step, (h_s[...], c_s[...]))
    h_s[...] = hN
    c_s[...] = cN

    hst = hst_s[...].reshape(TB, B, Dh)
    hs_ref[...] = jnp.transpose(hst, (1, 0, 2)).astype(jnp.bfloat16)


VCH = 352
VPAD = 14 * VCH


def _proj_body(hs_ref, woutT_ref, bout_ref, out_ref):
    logT = jax.lax.dot_general(
        woutT_ref[...], hs_ref[...],
        dimension_numbers=(((1,), (1,)), ((), ())),
        preferred_element_type=jnp.float32)
    logT = logT + bout_ref[...]
    out_ref[...] = logT.reshape(VCH, B, T)


def kernel(dialogue, dialogue_lengths, visual_features, cumulative_dialogue,
           cumulative_lengths, num_questions, object_categories, object_bboxes,
           num_objects, category_emb, word_emb, W_vis, b_vis, W_ih, W_hh,
           b_ih, b_hh, W_out, b_out):
    idx = dialogue.astype(jnp.int32).T.reshape(-1)
    w_tm = _sc_gather(word_emb, idx, T * B, Dw)

    const = pl.pallas_call(
        _const_body,
        grid=(1,),
        in_specs=[
            pl.BlockSpec((B, O), lambda i: (0, 0)),
            pl.BlockSpec((B, 1), lambda i: (0, 0)),
            pl.BlockSpec((NC_CAT, Dc), lambda i: (0, 0)),
            pl.BlockSpec((B, Dv), lambda i: (0, 0)),
            pl.BlockSpec((Dv, Dh), lambda i: (0, 0)),
            pl.BlockSpec((1, Dh), lambda i: (0, 0)),
            pl.BlockSpec((Dh, 4 * Dh), lambda i: (1, 0)),
            pl.BlockSpec((Dc, 4 * Dh), lambda i: (4, 0)),
            pl.BlockSpec((1, 4 * Dh), lambda i: (0, 0)),
            pl.BlockSpec((1, 4 * Dh), lambda i: (0, 0)),
        ],
        out_specs=pl.BlockSpec((B, 4 * Dh), lambda i: (0, 0)),
        out_shape=jax.ShapeDtypeStruct((B, 4 * Dh), jnp.float32),
    )(
        object_categories.astype(jnp.int32),
        num_objects.astype(jnp.float32).reshape(B, 1),
        category_emb,
        visual_features,
        W_vis,
        b_vis.reshape(1, Dh),
        W_ih,
        W_ih,
        b_ih.reshape(1, 4 * Dh),
        b_hh.reshape(1, 4 * Dh),
    )

    hs_bm = pl.pallas_call(
        _scan_body,
        grid=(NT,),
        in_specs=[
            pl.BlockSpec((TB * B, Dw), lambda i: (i, 0)),
            pl.BlockSpec((Dw, 4 * Dh), lambda i: (0, 0)),
            pl.BlockSpec((Dh, 4 * Dh), lambda i: (0, 0)),
            pl.BlockSpec((B, 4 * Dh), lambda i: (0, 0)),
        ],
        out_specs=pl.BlockSpec((B, TB, Dh), lambda i: (0, i, 0)),
        out_shape=jax.ShapeDtypeStruct((B, T, Dh), jnp.bfloat16),
        scratch_shapes=[
            pltpu.VMEM((TB * B, 4 * Dh), jnp.float32),
            pltpu.VMEM((Dw, 4 * Dh), jnp.bfloat16),
            pltpu.VMEM((Dh, 4 * Dh), jnp.bfloat16),
            pltpu.VMEM((TB * B, Dh), jnp.float32),
            pltpu.VMEM((B, Dh), jnp.float32),
            pltpu.VMEM((B, Dh), jnp.float32),
        ],
    )(w_tm, W_ih, W_hh, const)

    out_vbt = pl.pallas_call(
        _proj_body,
        grid=(VPAD // VCH,),
        in_specs=[
            pl.BlockSpec((T * B, Dh), lambda j: (0, 0)),
            pl.BlockSpec((VCH, Dh), lambda j: (j, 0)),
            pl.BlockSpec((VCH, 1), lambda j: (j, 0)),
        ],
        out_specs=pl.BlockSpec((VCH, B, T), lambda j: (j, 0, 0)),
        out_shape=jax.ShapeDtypeStruct((V, B, T), jnp.float32),
    )(hs_bm.reshape(B * T, Dh), W_out.T.astype(jnp.bfloat16),
      b_out.reshape(V, 1))
    return jnp.transpose(out_vbt, (1, 2, 0))

# --- scband reference (transcript-rebuilt; emitter-appended) ---
"""Pipeline reference for scband-qgen-belief-76879914598604 (READ-ONLY COPY).

The authoritative reference and input builder live on the scoring server;
editing this copy changes nothing except your own understanding.
"""

import jax, jax.numpy as jnp
import numpy as np

B, T, Q, O = 8, 512, 16, 50
V, Dw, Dh, Dc, Dv, NC = 4900, 512, 512, 256, 2048, 91


def setup_inputs(seed: int = 0) -> dict:
    key = jax.random.key(seed)
    ks = jax.random.split(key, 24)
    dialogue = jax.random.randint(ks[0], (B, T), 0, V)
    dialogue_lengths = jax.random.randint(ks[1], (B,), T // 2, T + 1)
    visual_features = jax.random.normal(ks[2], (B, Dv), dtype=jnp.float32)
    cumulative_dialogue = jax.random.randint(ks[3], (B, Q, T), 0, V)
    cumulative_lengths = jnp.sort(jax.random.randint(ks[4], (B, Q), 1, T), axis=-1)
    num_questions = jax.random.randint(ks[5], (B,), 1, Q + 1)
    object_categories = jax.random.randint(ks[6], (B, O), 1, NC)
    object_bboxes = jax.random.uniform(ks[7], (B, O, 8), dtype=jnp.float32)
    num_objects = jax.random.randint(ks[8], (B,), 1, O + 1)
    category_emb = jax.random.normal(ks[9], (NC, Dc), dtype=jnp.float32) * 0.02
    category_emb = category_emb.at[0].set(0.0)  # padding_idx=0
    word_emb = jax.random.normal(ks[10], (V, Dw), dtype=jnp.float32) * 0.02
    W_vis = jax.random.normal(ks[11], (Dv, Dh), dtype=jnp.float32) * 0.02
    b_vis = jnp.zeros((Dh,), dtype=jnp.float32)
    Din = Dw + Dh + Dc
    W_ih = jax.random.normal(ks[12], (Din, 4 * Dh), dtype=jnp.float32) * 0.02
    W_hh = jax.random.normal(ks[13], (Dh, 4 * Dh), dtype=jnp.float32) * 0.02
    b_ih = jnp.zeros((4 * Dh,), dtype=jnp.float32)
    b_hh = jnp.zeros((4 * Dh,), dtype=jnp.float32)
    W_out = jax.random.normal(ks[14], (Dh, V), dtype=jnp.float32) * 0.02
    b_out = jnp.zeros((V,), dtype=jnp.float32)
    return {
        "dialogue": dialogue,
        "dialogue_lengths": dialogue_lengths,
        "visual_features": visual_features,
        "cumulative_dialogue": cumulative_dialogue,
        "cumulative_lengths": cumulative_lengths,
        "num_questions": num_questions,
        "object_categories": object_categories,
        "object_bboxes": object_bboxes,
        "num_objects": num_objects,
        "category_emb": category_emb,
        "word_emb": word_emb,
        "W_vis": W_vis,
        "b_vis": b_vis,
        "W_ih": W_ih,
        "W_hh": W_hh,
        "b_ih": b_ih,
        "b_hh": b_hh,
        "W_out": W_out,
        "b_out": b_out,
    }


def reference(dialogue, dialogue_lengths, visual_features, cumulative_dialogue,
              cumulative_lengths, num_questions, object_categories, object_bboxes,
              num_objects, category_emb, word_emb, W_vis, b_vis, W_ih, W_hh,
              b_ih, b_hh, W_out, b_out):
    # object_probs_setting == 'uniform', object_emebdding_setting == 'learn-emb'
    # get_object_emb: learned category embedding lookup (padding_idx=0)
    obj_emb = jnp.take(category_emb, object_categories, axis=0)  # [B, O, Dc]
    # additional_features = sum over objects / num_objects, repeated over time
    add = jnp.sum(obj_emb, axis=1) / num_objects[:, None].astype(jnp.float32)  # [B, Dc]
    t = dialogue.shape[1]
    add_feat = jnp.repeat(add[:, None, :], t, axis=1)  # [B, T, Dc]
    # qgen stub: word embedding + projected visual features + additional features -> LSTM -> vocab logits
    w = jnp.take(word_emb, dialogue, axis=0)  # [B, T, Dw]
    vis = jnp.tanh(visual_features @ W_vis + b_vis)  # [B, Dh]
    vis_t = jnp.repeat(vis[:, None, :], t, axis=1)  # [B, T, Dh]
    x = jnp.concatenate([w, vis_t, add_feat], axis=-1)  # [B, T, Dw+Dh+Dc]
    dh = W_hh.shape[0]
    b = x.shape[0]

    def step(carry, xt):
        h, c = carry
        gates = xt @ W_ih + h @ W_hh + b_ih + b_hh
        i, f, g, o = jnp.split(gates, 4, axis=-1)
        c = jax.nn.sigmoid(f) * c + jax.nn.sigmoid(i) * jnp.tanh(g)
        h = jax.nn.sigmoid(o) * jnp.tanh(c)
        return (h, c), h

    h0 = jnp.zeros((b, dh), dtype=x.dtype)
    c0 = jnp.zeros((b, dh), dtype=x.dtype)
    _, hs = jax.lax.scan(step, (h0, c0), jnp.swapaxes(x, 0, 1))
    hs = jnp.swapaxes(hs, 0, 1)  # [B, T, Dh]
    logits = hs @ W_out + b_out  # [B, T, V]
    return logits

if __name__ == "__main__":
    import jax
    _d = setup_inputs()
    print(jax.jit(kernel)(*tuple(_d.values())))

</pallas_src>

<mosaic_0001>
#map = affine_map<(d0, d1) -> (0, 0)>
#map1 = affine_map<(d0, d1) -> (0)>
module attributes {stable_mosaic.version = 14 : i64} {
  func.func @k(%arg0: i32, %arg1: i32, %arg2: memref<4900x512xf32, #tpu.memory_space<hbm>>, %arg3: memref<4096xi32, #tpu.memory_space<hbm>>, %arg4: memref<4096x512xf32, #tpu.memory_space<hbm>>, %arg5: memref<128xi32, #tpu.memory_space<vmem>>, %arg6: memref<128x512xf32, #tpu.memory_space<vmem>>, %arg7: memref<!tpu.dma_semaphore, #tpu.memory_space<semaphore_mem>>) attributes {dimension_semantics = [#tpu.dimension_semantics<core_parallel>, #tpu.dimension_semantics<subcore_parallel>], iteration_bounds = array<i64: 2, 16>, scalar_prefetch = 0 : i64, scratch_operands = 3 : i64, tpu.core_type = #tpu.core_type<sc_vector_subcore>, window_params = [{transform_indices = #map}, {transform_indices = #map1}, {transform_indices = #map}]} {
    %mul3A = arith.constant 2 : i32
    %mul3A_0 = arith.muli %arg1, %mul3A : i32
    %add3A = arith.addi %mul3A_0, %arg0 : i32
    %mul3A_1 = arith.constant 128 : i32
    %mul3A_2 = arith.muli %add3A, %mul3A_1 : i32
    "tpu.region"() ({
      %run_scoped3A = tpu.sem_alloc : memref<!tpu.dma_semaphore, #tpu.memory_space<semaphore_mem>>
      %dma_start3A_7 = tpu.memref_slice %arg3[%mul3A_2] : memref<4096xi32, #tpu.memory_space<hbm>> -> memref<128xi32, #tpu.memory_space<hbm>>
      %dma_start3A_8 = tpu.memref_slice %arg3[%mul3A_2] : memref<4096xi32, #tpu.memory_space<hbm>> -> memref<128xi32, #tpu.memory_space<hbm>>
      tpu.enqueue_dma source(%dma_start3A_8 : memref<128xi32, #tpu.memory_space<hbm>>) target(%arg5 : memref<128xi32, #tpu.memory_space<vmem>>) target_semaphore(%run_scoped3A : memref<!tpu.dma_semaphore, #tpu.memory_space<semaphore_mem>>)
      %dma_wait3A_9 = tpu.memref_slice %arg3[%mul3A_2] : memref<4096xi32, #tpu.memory_space<hbm>> -> memref<128xi32, #tpu.memory_space<hbm>>
      %dma_wait3A_10 = tpu.memref_slice %arg3[%mul3A_2] : memref<4096xi32, #tpu.memory_space<hbm>> -> memref<128xi32, #tpu.memory_space<hbm>>
      tpu.wait_dma2 semaphore(%run_scoped3A : memref<!tpu.dma_semaphore, #tpu.memory_space<semaphore_mem>>) src(%dma_wait3A_10 : memref<128xi32, #tpu.memory_space<hbm>>) dst(%arg5 : memref<128xi32, #tpu.memory_space<vmem>>)
      tpu.yield
    }) : () -> ()
    %dma_start3A = arith.constant 0 : i32
    %dma_start3A_3 = arith.constant 0 : i32
    %dma_start3A_4 = tpu.memref_slice %arg2[%dma_start3A, %dma_start3A_3] : memref<4900x512xf32, #tpu.memory_space<hbm>> -> memref<4900x512xf32, #tpu.memory_space<hbm>>
    tpu.enqueue_indirect_dma source(%dma_start3A_4 : memref<4900x512xf32, #tpu.memory_space<hbm>>) target(%arg6 : memref<128x512xf32, #tpu.memory_space<vmem>>) offsets(%arg5 : memref<128xi32, #tpu.memory_space<vmem>>) semaphore(%arg7 : memref<!tpu.dma_semaphore, #tpu.memory_space<semaphore_mem>>)
    %dma_wait3A = arith.constant 0 : i32
    %dma_wait3A_5 = arith.constant 0 : i32
    %dma_wait3A_6 = tpu.memref_slice %arg2[%dma_wait3A, %dma_wait3A_5] : memref<4900x512xf32, #tpu.memory_space<hbm>> -> memref<4900x512xf32, #tpu.memory_space<hbm>>
    tpu.wait_indirect_dma semaphore(%arg7 : memref<!tpu.dma_semaphore, #tpu.memory_space<semaphore_mem>>) src(%dma_wait3A_6 : memref<4900x512xf32, #tpu.memory_space<hbm>>) dst(%arg6 : memref<128x512xf32, #tpu.memory_space<vmem>>)
    "tpu.region"() ({
      %run_scoped3A = tpu.sem_alloc : memref<!tpu.dma_semaphore, #tpu.memory_space<semaphore_mem>>
      %dma_start3A_7 = arith.constant 0 : i32
      %dma_start3A_8 = tpu.memref_slice %arg4[%mul3A_2, %dma_start3A_7] : memref<4096x512xf32, #tpu.memory_space<hbm>> -> memref<128x512xf32, #tpu.memory_space<hbm>>
      %dma_start3A_9 = arith.constant 0 : i32
      %dma_start3A_10 = tpu.memref_slice %arg4[%mul3A_2, %dma_start3A_9] : memref<4096x512xf32, #tpu.memory_space<hbm>> -> memref<128x512xf32, #tpu.memory_space<hbm>>
      tpu.enqueue_dma source(%arg6 : memref<128x512xf32, #tpu.memory_space<vmem>>) target(%dma_start3A_10 : memref<128x512xf32, #tpu.memory_space<hbm>>) target_semaphore(%run_scoped3A : memref<!tpu.dma_semaphore, #tpu.memory_space<semaphore_mem>>)
      %dma_wait3A_11 = arith.constant 0 : i32
      %dma_wait3A_12 = tpu.memref_slice %arg4[%mul3A_2, %dma_wait3A_11] : memref<4096x512xf32, #tpu.memory_space<hbm>> -> memref<128x512xf32, #tpu.memory_space<hbm>>
      %dma_wait3A_13 = arith.constant 0 : i32
      %dma_wait3A_14 = tpu.memref_slice %arg4[%mul3A_2, %dma_wait3A_13] : memref<4096x512xf32, #tpu.memory_space<hbm>> -> memref<128x512xf32, #tpu.memory_space<hbm>>
      tpu.wait_dma2 semaphore(%run_scoped3A : memref<!tpu.dma_semaphore, #tpu.memory_space<semaphore_mem>>) src(%arg6 : memref<128x512xf32, #tpu.memory_space<vmem>>) dst(%dma_wait3A_14 : memref<128x512xf32, #tpu.memory_space<hbm>>)
      tpu.yield
    }) : () -> ()
    return
  }
}

module attributes {stable_mosaic.version = 14 : i64} {
  func.func @_const_body(%arg0: i32, %arg1: memref<8x50xi32, #tpu.memory_space<vmem>>, %arg2: memref<8x1xf32, #tpu.memory_space<vmem>>, %arg3: memref<91x256xf32, #tpu.memory_space<vmem>>, %arg4: memref<8x2048xf32, #tpu.memory_space<vmem>>, %arg5: memref<2048x512xf32, #tpu.memory_space<vmem>>, %arg6: memref<1x512xf32, #tpu.memory_space<vmem>>, %arg7: memref<512x2048xf32, #tpu.memory_space<vmem>>, %arg8: memref<256x2048xf32, #tpu.memory_space<vmem>>, %arg9: memref<1x2048xf32, #tpu.memory_space<vmem>>, %arg10: memref<1x2048xf32, #tpu.memory_space<vmem>>, %arg11: memref<8x2048xf32, #tpu.memory_space<vmem>>) attributes {dimension_semantics = [#tpu.dimension_semantics<arbitrary>], iteration_bounds = array<i64: 1>, scalar_prefetch = 0 : i64, scratch_operands = 0 : i64, tpu.core_type = #tpu.core_type<tc>, window_params = [{pipeline_mode = #tpu.pipeline_mode<synchronous>, transform_indices = @transform_0, window_bounds = array<i64: 8, 50>}, {pipeline_mode = #tpu.pipeline_mode<synchronous>, transform_indices = @transform_1, window_bounds = array<i64: 8, 1>}, {pipeline_mode = #tpu.pipeline_mode<synchronous>, transform_indices = @transform_2, window_bounds = array<i64: 91, 256>}, {pipeline_mode = #tpu.pipeline_mode<synchronous>, transform_indices = @transform_3, window_bounds = array<i64: 8, 2048>}, {pipeline_mode = #tpu.pipeline_mode<synchronous>, transform_indices = @transform_4, window_bounds = array<i64: 2048, 512>}, {pipeline_mode = #tpu.pipeline_mode<synchronous>, transform_indices = @transform_5, window_bounds = array<i64: 1, 512>}, {transform_indices = @transform_6, window_bounds = array<i64: 512, 2048>}, {transform_indices = @transform_7, window_bounds = array<i64: 256, 2048>}, {pipeline_mode = #tpu.pipeline_mode<synchronous>, transform_indices = @transform_8, window_bounds = array<i64: 1, 2048>}, {pipeline_mode = #tpu.pipeline_mode<synchronous>, transform_indices = @transform_9, window_bounds = array<i64: 1, 2048>}, {pipeline_mode = #tpu.pipeline_mode<synchronous>, transform_indices = @transform_10, window_bounds = array<i64: 8, 2048>}]} {
    %get3A = arith.constant 0 : index
    %get3A_0 = arith.constant 0 : index
    %get3A_1 = vector.load %arg1[%get3A, %get3A_0] : memref<8x50xi32, #tpu.memory_space<vmem>>, vector<8x50xi32>
    %iota3A = tpu.iota {dimensions = array<i32: 1>} : vector<8x91xi32>
    %broadcast_in_dim3A = arith.constant 0.000000e+00 : f32
    %broadcast_in_dim3A_2 = vector.broadcast %broadcast_in_dim3A : f32 to vector<8x91xf32>
    %slice3A = vector.extract_strided_slice %get3A_1 {offsets = [0, 0], sizes = [8, 1], strides = [1, 1]} : vector<8x50xi32> to vector<8x1xi32>
    %eq3A = vector.broadcast %slice3A : vector<8x1xi32> to vector<8x91xi32>
    %eq3A_3 = arith.cmpi eq, %eq3A, %iota3A : vector<8x91xi32>
    %convert_element_type3A = arith.extui %eq3A_3 : vector<8x91xi1> to vector<8x91xi32>
    %convert_element_type3A_4 = arith.sitofp %convert_element_type3A : vector<8x91xi32> to vector<8x91xf32>
    %add3A = arith.addf %broadcast_in_dim3A_2, %convert_element_type3A_4 : vector<8x91xf32>
    %slice3A_5 = vector.extract_strided_slice %get3A_1 {offsets = [0, 1], sizes = [8, 1], strides = [1, 1]} : vector<8x50xi32> to vector<8x1xi32>
    %eq3A_6 = vector.broadcast %slice3A_5 : vector<8x1xi32> to vector<8x91xi32>
    %eq3A_7 = arith.cmpi eq, %eq3A_6, %iota3A : vector<8x91xi32>
    %convert_element_type3A_8 = arith.extui %eq3A_7 : vector<8x91xi1> to vector<8x91xi32>
    %convert_element_type3A_9 = arith.sitofp %convert_element_type3A_8 : vector<8x91xi32> to vector<8x91xf32>
    %add3A_10 = arith.addf %add3A, %convert_element_type3A_9 : vector<8x91xf32>
    %slice3A_11 = vector.extract_strided_slice %get3A_1 {offsets = [0, 2], sizes = [8, 1], strides = [1, 1]} : vector<8x50xi32> to vector<8x1xi32>
    %eq3A_12 = vector.broadcast %slice3A_11 : vector<8x1xi32> to vector<8x91xi32>
    %eq3A_13 = arith.cmpi eq, %eq3A_12, %iota3A : vector<8x91xi32>
    %convert_element_type3A_14 = arith.extui %eq3A_13 : vector<8x91xi1> to vector<8x91xi32>
    %convert_element_type3A_15 = arith.sitofp %convert_element_type3A_14 : vector<8x91xi32> to vector<8x91xf32>
    %add3A_16 = arith.addf %add3A_10, %convert_element_type3A_15 : vector<8x91xf32>
    %slice3A_17 = vector.extract_strided_slice %get3A_1 {offsets = [0, 3], sizes = [8, 1], strides = [1, 1]} : vector<8x50xi32> to vector<8x1xi32>
    %eq3A_18 = vector.broadcast %slice3A_17 : vector<8x1xi32> to vector<8x91xi32>
    %eq3A_19 = arith.cmpi eq, %eq3A_18, %iota3A : vector<8x91xi32>
    %convert_element_type3A_20 = arith.extui %eq3A_19 : vector<8x91xi1> to vector<8x91xi32>
    %convert_element_type3A_21 = arith.sitofp %convert_element_type3A_20 : vector<8x91xi32> to vector<8x91xf32>
    %add3A_22 = arith.addf %add3A_16, %convert_element_type3A_21 : vector<8x91xf32>
    %slice3A_23 = vector.extract_strided_slice %get3A_1 {offsets = [0, 4], sizes = [8, 1], strides = [1, 1]} : vector<8x50xi32> to vector<8x1xi32>
    %eq3A_24 = vector.broadcast %slice3A_23 : vector<8x1xi32> to vector<8x91xi32>
    %eq3A_25 = arith.cmpi eq, %eq3A_24, %iota3A : vector<8x91xi32>
    %convert_element_type3A_26 = arith.extui %eq3A_25 : vector<8x91xi1> to vector<8x91xi32>
    %convert_element_type3A_27 = arith.sitofp %convert_element_type3A_26 : vector<8x91xi32> to vector<8x91xf32>
    %add3A_28 = arith.addf %add3A_22, %convert_element_type3A_27 : vector<8x91xf32>
    %slice3A_29 = vector.extract_strided_slice %get3A_1 {offsets = [0, 5], sizes = [8, 1], strides = [1, 1]} : vector<8x50xi32> to vector<8x1xi32>
    %eq3A_30 = vector.broadcast %slice3A_29 : vector<8x1xi32> to vector<8x91xi32>
    %eq3A_31 = arith.cmpi eq, %eq3A_30, %iota3A : vector<8x91xi32>
    %convert_element_type3A_32 = arith.extui %eq3A_31 : vector<8x91xi1> to vector<8x91xi32>
    %convert_element_type3A_33 = arith.sitofp %convert_element_type3A_32 : vector<8x91xi32> to vector<8x91xf32>
    %add3A_34 = arith.addf %add3A_28, %convert_element_type3A_33 : vector<8x91xf32>
    %slice3A_35 = vector.extract_strided_slice %get3A_1 {offsets = [0, 6], sizes = [8, 1], strides = [1, 1]} : vector<8x50xi32> to vector<8x1xi32>
    %eq3A_36 = vector.broadcast %slice3A_35 : vector<8x1xi32> to vector<8x91xi32>
    %eq3A_37 = arith.cmpi eq, %eq3A_36, %iota3A : vector<8x91xi32>
    %convert_element_type3A_38 = arith.extui %eq3A_37 : vector<8x91xi1> to vector<8x91xi32>
    %convert_element_type3A_39 = arith.sitofp %convert_element_type3A_38 : vector<8x91xi32> to vector<8x91xf32>
    %add3A_40 = arith.addf %add3A_34, %convert_element_type3A_39 : vector<8x91xf32>
    %slice3A_41 = vector.extract_strided_slice %get3A_1 {offsets = [0, 7], sizes = [8, 1], strides = [1, 1]} : vector<8x50xi32> to vector<8x1xi32>
    %eq3A_42 = vector.broadcast %slice3A_41 : vector<8x1xi32> to vector<8x91xi32>
    %eq3A_43 = arith.cmpi eq, %eq3A_42, %iota3A : vector<8x91xi32>
    %convert_element_type3A_44 = arith.extui %eq3A_43 : vector<8x91xi1> to vector<8x91xi32>
    %convert_element_type3A_45 = arith.sitofp %convert_element_type3A_44 : vector<8x91xi32> to vector<8x91xf32>
    %add3A_46 = arith.addf %add3A_40, %convert_element_type3A_45 : vector<8x91xf32>
    %slice3A_47 = vector.extract_strided_slice %get3A_1 {offsets = [0, 8], sizes = [8, 1], strides = [1, 1]} : vector<8x50xi32> to vector<8x1xi32>
    %eq3A_48 = vector.broadcast %slice3A_47 : vector<8x1xi32> to vector<8x91xi32>
    %eq3A_49 = arith.cmpi eq, %eq3A_48, %iota3A : vector<8x91xi32>
    %convert_element_type3A_50 = arith.extui %eq3A_49 : vector<8x91xi1> to vector<8x91xi32>
    %convert_element_type3A_51 = arith.sitofp %convert_element_type3A_50 : vector<8x91xi32> to vector<8x91xf32>
    %add3A_52 = arith.addf %add3A_46, %convert_element_type3A_51 : vector<8x91xf32>
    %slice3A_53 = vector.extract_strided_slice %get3A_1 {offsets = [0, 9], sizes = [8, 1], strides = [1, 1]} : vector<8x50xi32> to vector<8x1xi32>
    %eq3A_54 = vector.broadcast %slice3A_53 : vector<8x1xi32> to vector<8x91xi32>
    %eq3A_55 = arith.cmpi eq, %eq3A_54, %iota3A : vector<8x91xi32>
    %convert_element_type3A_56 = arith.extui %eq3A_55 : vector<8x91xi1> to vector<8x91xi32>
    %convert_element_type3A_57 = arith.sitofp %convert_element_type3A_56 : vector<8x91xi32> to vector<8x91xf32>
    %add3A_58 = arith.addf %add3A_52, %convert_element_type3A_57 : vector<8x91xf32>
    %slice3A_59 = vector.extract_strided_slice %get3A_1 {offsets = [0, 10], sizes = [8, 1], strides = [1, 1]} : vector<8x50xi32> to vector<8x1xi32>
    %eq3A_60 = vector.broadcast %slice3A_59 : vector<8x1xi32> to vector<8x91xi32>
    %eq3A_61 = arith.cmpi eq, %eq3A_60, %iota3A : vector<8x91xi32>
    %convert_element_type3A_62 = arith.extui %eq3A_61 : vector<8x91xi1> to vector<8x91xi32>
    %convert_element_type3A_63 = arith.sitofp %convert_element_type3A_62 : vector<8x91xi32> to vector<8x91xf32>
    %add3A_64 = arith.addf %add3A_58, %convert_element_type3A_63 : vector<8x91xf32>
    %slice3A_65 = vector.extract_strided_slice %get3A_1 {offsets = [0, 11], sizes = [8, 1], strides = [1, 1]} : vector<8x50xi32> to vector<8x1xi32>
    %eq3A_66 = vector.broadcast %slice3A_65 : vector<8x1xi32> to vector<8x91xi32>
    %eq3A_67 = arith.cmpi eq, %eq3A_66, %iota3A : vector<8x91xi32>
    %convert_element_type3A_68 = arith.extui %eq3A_67 : vector<8x91xi1> to vector<8x91xi32>
    %convert_element_type3A_69 = arith.sitofp %convert_element_type3A_68 : vector<8x91xi32> to vector<8x91xf32>
    %add3A_70 = arith.addf %add3A_64, %convert_element_type3A_69 : vector<8x91xf32>
    %slice3A_71 = vector.extract_strided_slice %get3A_1 {offsets = [0, 12], sizes = [8, 1], strides = [1, 1]} : vector<8x50xi32> to vector<8x1xi32>
    %eq3A_72 = vector.broadcast %slice3A_71 : vector<8x1xi32> to vector<8x91xi32>
    %eq3A_73 = arith.cmpi eq, %eq3A_72, %iota3A : vector<8x91xi32>
    %convert_element_type3A_74 = arith.extui %eq3A_73 : vector<8x91xi1> to vector<8x91xi32>
    %convert_element_type3A_75 = arith.sitofp %convert_element_type3A_74 : vector<8x91xi32> to vector<8x91xf32>
    %add3A_76 = arith.addf %add3A_70, %convert_element_type3A_75 : vector<8x91xf32>
    %slice3A_77 = vector.extract_strided_slice %get3A_1 {offsets = [0, 13], sizes = [8, 1], strides = [1, 1]} : vector<8x50xi32> to vector<8x1xi32>
    %eq3A_78 = vector.broadcast %slice3A_77 : vector<8x1xi32> to vector<8x91xi32>
    %eq3A_79 = arith.cmpi eq, %eq3A_78, %iota3A : vector<8x91xi32>
    %convert_element_type3A_80 = arith.extui %eq3A_79 : vector<8x91xi1> to vector<8x91xi32>
    %convert_element_type3A_81 = arith.sitofp %convert_element_type3A_80 : vector<8x91xi32> to vector<8x91xf32>
    %add3A_82 = arith.addf %add3A_76, %convert_element_type3A_81 : vector<8x91xf32>
    %slice3A_83 = vector.extract_strided_slice %get3A_1 {offsets = [0, 14], sizes = [8, 1], strides = [1, 1]} : vector<8x50xi32> to vector<8x1xi32>
    %eq3A_84 = vector.broadcast %slice3A_83 : vector<8x1xi32> to vector<8x91xi32>
    %eq3A_85 = arith.cmpi eq, %eq3A_84, %iota3A : vector<8x91xi32>
    %convert_element_type3A_86 = arith.extui %eq3A_85 : vector<8x91xi1> to vector<8x91xi32>
    %convert_element_type3A_87 = arith.sitofp %convert_element_type3A_86 : vector<8x91xi32> to vector<8x91xf32>
    %add3A_88 = arith.addf %add3A_82, %convert_element_type3A_87 : vector<8x91xf32>
    %slice3A_89 = vector.extract_strided_slice %get3A_1 {offsets = [0, 15], sizes = [8, 1], strides = [1, 1]} : vector<8x50xi32> to vector<8x1xi32>
    %eq3A_90 = vector.broadcast %slice3A_89 : vector<8x1xi32> to vector<8x91xi32>
    %eq3A_91 = arith.cmpi eq, %eq3A_90, %iota3A : vector<8x91xi32>
    %convert_element_type3A_92 = arith.extui %eq3A_91 : vector<8x91xi1> to vector<8x91xi32>
    %convert_element_type3A_93 = arith.sitofp %convert_element_type3A_92 : vector<8x91xi32> to vector<8x91xf32>
    %add3A_94 = arith.addf %add3A_88, %convert_element_type3A_93 : vector<8x91xf32>
    %slice3A_95 = vector.extract_strided_slice %get3A_1 {offsets = [0, 16], sizes = [8, 1], strides = [1, 1]} : vector<8x50xi32> to vector<8x1xi32>
    %eq3A_96 = vector.broadcast %slice3A_95 : vector<8x1xi32> to vector<8x91xi32>
    %eq3A_97 = arith.cmpi eq, %eq3A_96, %iota3A : vector<8x91xi32>
    %convert_element_type3A_98 = arith.extui %eq3A_97 : vector<8x91xi1> to vector<8x91xi32>
    %convert_element_type3A_99 = arith.sitofp %convert_element_type3A_98 : vector<8x91xi32> to vector<8x91xf32>
    %add3A_100 = arith.addf %add3A_94, %convert_element_type3A_99 : vector<8x91xf32>
    %slice3A_101 = vector.extract_strided_slice %get3A_1 {offsets = [0, 17], sizes = [8, 1], strides = [1, 1]} : vector<8x50xi32> to vector<8x1xi32>
    %eq3A_102 = vector.broadcast %slice3A_101 : vector<8x1xi32> to vector<8x91xi32>
    %eq3A_103 = arith.cmpi eq, %eq3A_102, %iota3A : vector<8x91xi32>
    %convert_element_type3A_104 = arith.extui %eq3A_103 : vector<8x91xi1> to vector<8x91xi32>
    %convert_element_type3A_105 = arith.sitofp %convert_element_type3A_104 : vector<8x91xi32> to vector<8x91xf32>
    %add3A_106 = arith.addf %add3A_100, %convert_element_type3A_105 : vector<8x91xf32>
    %slice3A_107 = vector.extract_strided_slice %get3A_1 {offsets = [0, 18], sizes = [8, 1], strides = [1, 1]} : vector<8x50xi32> to vector<8x1xi32>
    %eq3A_108 = vector.broadcast %slice3A_107 : vector<8x1xi32> to vector<8x91xi32>
    %eq3A_109 = arith.cmpi eq, %eq3A_108, %iota3A : vector<8x91xi32>
    %convert_element_type3A_110 = arith.extui %eq3A_109 : vector<8x91xi1> to vector<8x91xi32>
    %convert_element_type3A_111 = arith.sitofp %convert_element_type3A_110 : vector<8x91xi32> to vector<8x91xf32>
    %add3A_112 = arith.addf %add3A_106, %convert_element_type3A_111 : vector<8x91xf32>
    %slice3A_113 = vector.extract_strided_slice %get3A_1 {offsets = [0, 19], sizes = [8, 1], strides = [1, 1]} : vector<8x50xi32> to vector<8x1xi32>
    %eq3A_114 = vector.broadcast %slice3A_113 : vector<8x1xi32> to vector<8x91xi32>
    %eq3A_115 = arith.cmpi eq, %eq3A_114, %iota3A : vector<8x91xi32>
    %convert_element_type3A_116 = arith.extui %eq3A_115 : vector<8x91xi1> to vector<8x91xi32>
    %convert_element_type3A_117 = arith.sitofp %convert_element_type3A_116 : vector<8x91xi32> to vector<8x91xf32>
    %add3A_118 = arith.addf %add3A_112, %convert_element_type3A_117 : vector<8x91xf32>
    %slice3A_119 = vector.extract_strided_slice %get3A_1 {offsets = [0, 20], sizes = [8, 1], strides = [1, 1]} : vector<8x50xi32> to vector<8x1xi32>
    %eq3A_120 = vector.broadcast %slice3A_119 : vector<8x1xi32> to vector<8x91xi32>
    %eq3A_121 = arith.cmpi eq, %eq3A_120, %iota3A : vector<8x91xi32>
    %convert_element_type3A_122 = arith.extui %eq3A_121 : vector<8x91xi1> to vector<8x91xi32>
    %convert_element_type3A_123 = arith.sitofp %convert_element_type3A_122 : vector<8x91xi32> to vector<8x91xf32>
    %add3A_124 = arith.addf %add3A_118, %convert_element_type3A_123 : vector<8x91xf32>
    %slice3A_125 = vector.extract_strided_slice %get3A_1 {offsets = [0, 21], sizes = [8, 1], strides = [1, 1]} : vector<8x50xi32> to vector<8x1xi32>
    %eq3A_126 = vector.broadcast %slice3A_125 : vector<8x1xi32> to vector<8x91xi32>
    %eq3A_127 = arith.cmpi eq, %eq3A_126, %iota3A : vector<8x91xi32>
    %convert_element_type3A_128 = arith.extui %eq3A_127 : vector<8x91xi1> to vector<8x91xi32>
    %convert_element_type3A_129 = arith.sitofp %convert_element_type3A_128 : vector<8x91xi32> to vector<8x91xf32>
    %add3A_130 = arith.addf %add3A_124, %convert_element_type3A_129 : vector<8x91xf32>
    %slice3A_131 = vector.extract_strided_slice %get3A_1 {offsets = [0, 22], sizes = [8, 1], strides = [1, 1]} : vector<8x50xi32> to vector<8x1xi32>
    %eq3A_132 = vector.broadcast %slice3A_131 : vector<8x1xi32> to vector<8x91xi32>
    %eq3A_133 = arith.cmpi eq, %eq3A_132, %iota3A : vector<8x91xi32>
    %convert_element_type3A_134 = arith.extui %eq3A_133 : vector<8x91xi1> to vector<8x91xi32>
    %convert_element_type3A_135 = arith.sitofp %convert_element_type3A_134 : vector<8x91xi32> to vector<8x91xf32>
    %add3A_136 = arith.addf %add3A_130, %convert_element_type3A_135 : vector<8x91xf32>
    %slice3A_137 = vector.extract_strided_slice %get3A_1 {offsets = [0, 23], sizes = [8, 1], strides = [1, 1]} : vector<8x50xi32> to vector<8x1xi32>
    %eq3A_138 = vector.broadcast %slice3A_137 : vector<8x1xi32> to vector<8x91xi32>
    %eq3A_139 = arith.cmpi eq, %eq3A_138, %iota3A : vector<8x91xi32>
    %convert_element_type3A_140 = arith.extui %eq3A_139 : vector<8x91xi1> to vector<8x91xi32>
    %convert_element_type3A_141 = arith.sitofp %convert_element_type3A_140 : vector<8x91xi32> to vector<8x91xf32>
    %add3A_142 = arith.addf %add3A_136, %convert_element_type3A_141 : vector<8x91xf32>
    %slice3A_143 = vector.extract_strided_slice %get3A_1 {offsets = [0, 24], sizes = [8, 1], strides = [1, 1]} : vector<8x50xi32> to vector<8x1xi32>
    %eq3A_144 = vector.broadcast %slice3A_143 : vector<8x1xi32> to vector<8x91xi32>
    %eq3A_145 = arith.cmpi eq, %eq3A_144, %iota3A : vector<8x91xi32>
    %convert_element_type3A_146 = arith.extui %eq3A_145 : vector<8x91xi1> to vector<8x91xi32>
    %convert_element_type3A_147 = arith.sitofp %convert_element_type3A_146 : vector<8x91xi32> to vector<8x91xf32>
    %add3A_148 = arith.addf %add3A_142, %convert_element_type3A_147 : vector<8x91xf32>
    %slice3A_149 = vector.extract_strided_slice %get3A_1 {offsets = [0, 25], sizes = [8, 1], strides = [1, 1]} : vector<8x50xi32> to vector<8x1xi32>
    %eq3A_150 = vector.broadcast %slice3A_149 : vector<8x1xi32> to vector<8x91xi32>
    %eq3A_151 = arith.cmpi eq, %eq3A_150, %iota3A : vector<8x91xi32>
    %convert_element_type3A_152 = arith.extui %eq3A_151 : vector<8x91xi1> to vector<8x91xi32>
    %convert_element_type3A_153 = arith.sitofp %convert_element_type3A_152 : vector<8x91xi32> to vector<8x91xf32>
    %add3A_154 = arith.addf %add3A_148, %convert_element_type3A_153 : vector<8x91xf32>
    %slice3A_155 = vector.extract_strided_slice %get3A_1 {offsets = [0, 26], sizes = [8, 1], strides = [1, 1]} : vector<8x50xi32> to vector<8x1xi32>
    %eq3A_156 = vector.broadcast %slice3A_155 : vector<8x1xi32> to vector<8x91xi32>
    %eq3A_157 = arith.cmpi eq, %eq3A_156, %iota3A : vector<8x91xi32>
    %convert_element_type3A_158 = arith.extui %eq3A_157 : vector<8x91xi1> to vector<8x91xi32>
    %convert_element_type3A_159 = arith.sitofp %convert_element_type3A_158 : vector<8x91xi32> to vector<8x91xf32>
    %add3A_160 = arith.addf %add3A_154, %convert_element_type3A_159 : vector<8x91xf32>
    %slice3A_161 = vector.extract_strided_slice %get3A_1 {offsets = [0, 27], sizes = [8, 1], strides = [1, 1]} : vector<8x50xi32> to vector<8x1xi32>
    %eq3A_162 = vector.broadcast %slice3A_161 : vector<8x1xi32> to vector<8x91xi32>
    %eq3A_163 = arith.cmpi eq, %eq3A_162, %iota3A : vector<8x91xi32>
    %convert_element_type3A_164 = arith.extui %eq3A_163 : vector<8x91xi1> to vector<8x91xi32>
    %convert_element_type3A_165 = arith.sitofp %convert_element_type3A_164 : vector<8x91xi32> to vector<8x91xf32>
    %add3A_166 = arith.addf %add3A_160, %convert_element_type3A_165 : vector<8x91xf32>
    %slice3A_167 = vector.extract_strided_slice %get3A_1 {offsets = [0, 28], sizes = [8, 1], strides = [1, 1]} : vector<8x50xi32> to vector<8x1xi32>
    %eq3A_168 = vector.broadcast %slice3A_167 : vector<8x1xi32> to vector<8x91xi32>
    %eq3A_169 = arith.cmpi eq, %eq3A_168, %iota3A : vector<8x91xi32>
    %convert_element_type3A_170 = arith.extui %eq3A_169 : vector<8x91xi1> to vector<8x91xi32>
    %convert_element_type3A_171 = arith.sitofp %convert_element_type3A_170 : vector<8x91xi32> to vector<8x91xf32>
    %add3A_172 = arith.addf %add3A_166, %convert_element_type3A_171 : vector<8x91xf32>
    %slice3A_173 = vector.extract_strided_slice %get3A_1 {offsets = [0, 29], sizes = [8, 1], strides = [1, 1]} : vector<8x50xi32> to vector<8x1xi32>
    %eq3A_174 = vector.broadcast %slice3A_173 : vector<8x1xi32> to vector<8x91xi32>
    %eq3A_175 = arith.cmpi eq, %eq3A_174, %iota3A : vector<8x91xi32>
    %convert_element_type3A_176 = arith.extui %eq3A_175 : vector<8x91xi1> to vector<8x91xi32>
    %convert_element_type3A_177 = arith.sitofp %convert_element_type3A_176 : vector<8x91xi32> to vector<8x91xf32>
    %add3A_178 = arith.addf %add3A_172, %convert_element_type3A_177 : vector<8x91xf32>
    %slice3A_179 = vector.extract_strided_slice %get3A_1 {offsets = [0, 30], sizes = [8, 1], strides = [1, 1]} : vector<8x50xi32> to vector<8x1xi32>
    %eq3A_180 = vector.broadcast %slice3A_179 : vector<8x1xi32> to vector<8x91xi32>
    %eq3A_181 = arith.cmpi eq, %eq3A_180, %iota3A : vector<8x91xi32>
    %convert_element_type3A_182 = arith.extui %eq3A_181 : vector<8x91xi1> to vector<8x91xi32>
    %convert_element_type3A_183 = arith.sitofp %convert_element_type3A_182 : vector<8x91xi32> to vector<8x91xf32>
    %add3A_184 = arith.addf %add3A_178, %convert_element_type3A_183 : vector<8x91xf32>
    %slice3A_185 = vector.extract_strided_slice %get3A_1 {offsets = [0, 31], sizes = [8, 1], strides = [1, 1]} : vector<8x50xi32> to vector<8x1xi32>
    %eq3A_186 = vector.broadcast %slice3A_185 : vector<8x1xi32> to vector<8x91xi32>
    %eq3A_187 = arith.cmpi eq, %eq3A_186, %iota3A : vector<8x91xi32>
    %convert_element_type3A_188 = arith.extui %eq3A_187 : vector<8x91xi1> to vector<8x91xi32>
    %convert_element_type3A_189 = arith.sitofp %convert_element_type3A_188 : vector<8x91xi32> to vector<8x91xf32>
    %add3A_190 = arith.addf %add3A_184, %convert_element_type3A_189 : vector<8x91xf32>
    %slice3A_191 = vector.extract_strided_slice %get3A_1 {offsets = [0, 32], sizes = [8, 1], strides = [1, 1]} : vector<8x50xi32> to vector<8x1xi32>
    %eq3A_192 = vector.broadcast %slice3A_191 : vector<8x1xi32> to vector<8x91xi32>
    %eq3A_193 = arith.cmpi eq, %eq3A_192, %iota3A : vector<8x91xi32>
    %convert_element_type3A_194 = arith.extui %eq3A_193 : vector<8x91xi1> to vector<8x91xi32>
    %convert_element_type3A_195 = arith.sitofp %convert_element_type3A_194 : vector<8x91xi32> to vector<8x91xf32>
    %add3A_196 = arith.addf %add3A_190, %convert_element_type3A_195 : vector<8x91xf32>
    %slice3A_197 = vector.extract_strided_slice %get3A_1 {offsets = [0, 33], sizes = [8, 1], strides = [1, 1]} : vector<8x50xi32> to vector<8x1xi32>
    %eq3A_198 = vector.broadcast %slice3A_197 : vector<8x1xi32> to vector<8x91xi32>
    %eq3A_199 = arith.cmpi eq, %eq3A_198, %iota3A : vector<8x91xi32>
    %convert_element_type3A_200 = arith.extui %eq3A_199 : vector<8x91xi1> to vector<8x91xi32>
    %convert_element_type3A_201 = arith.sitofp %convert_element_type3A_200 : vector<8x91xi32> to vector<8x91xf32>
    %add3A_202 = arith.addf %add3A_196, %convert_element_type3A_201 : vector<8x91xf32>
    %slice3A_203 = vector.extract_strided_slice %get3A_1 {offsets = [0, 34], sizes = [8, 1], strides = [1, 1]} : vector<8x50xi32> to vector<8x1xi32>
    %eq3A_204 = vector.broadcast %slice3A_203 : vector<8x1xi32> to vector<8x91xi32>
    %eq3A_205 = arith.cmpi eq, %eq3A_204, %iota3A : vector<8x91xi32>
    %convert_element_type3A_206 = arith.extui %eq3A_205 : vector<8x91xi1> to vector<8x91xi32>
    %convert_element_type3A_207 = arith.sitofp %convert_element_type3A_206 : vector<8x91xi32> to vector<8x91xf32>
    %add3A_208 = arith.addf %add3A_202, %convert_element_type3A_207 : vector<8x91xf32>
    %slice3A_209 = vector.extract_strided_slice %get3A_1 {offsets = [0, 35], sizes = [8, 1], strides = [1, 1]} : vector<8x50xi32> to vector<8x1xi32>
    %eq3A_210 = vector.broadcast %slice3A_209 : vector<8x1xi32> to vector<8x91xi32>
    %eq3A_211 = arith.cmpi eq, %eq3A_210, %iota3A : vector<8x91xi32>
    %convert_element_type3A_212 = arith.extui %eq3A_211 : vector<8x91xi1> to vector<8x91xi32>
    %convert_element_type3A_213 = arith.sitofp %convert_element_type3A_212 : vector<8x91xi32> to vector<8x91xf32>
    %add3A_214 = arith.addf %add3A_208, %convert_element_type3A_213 : vector<8x91xf32>
    %slice3A_215 = vector.extract_strided_slice %get3A_1 {offsets = [0, 36], sizes = [8, 1], strides = [1, 1]} : vector<8x50xi32> to vector<8x1xi32>
    %eq3A_216 = vector.broadcast %slice3A_215 : vector<8x1xi32> to vector<8x91xi32>
    %eq3A_217 = arith.cmpi eq, %eq3A_216, %iota3A : vector<8x91xi32>
    %convert_element_type3A_218 = arith.extui %eq3A_217 : vector<8x91xi1> to vector<8x91xi32>
    %convert_element_type3A_219 = arith.sitofp %convert_element_type3A_218 : vector<8x91xi32> to vector<8x91xf32>
    %add3A_220 = arith.addf %add3A_214, %convert_element_type3A_219 : vector<8x91xf32>
    %slice3A_221 = vector.extract_strided_slice %get3A_1 {offsets = [0, 37], sizes = [8, 1], strides = [1, 1]} : vector<8x50xi32> to vector<8x1xi32>
    %eq3A_222 = vector.broadcast %slice3A_221 : vector<8x1xi32> to vector<8x91xi32>
    %eq3A_223 = arith.cmpi eq, %eq3A_222, %iota3A : vector<8x91xi32>
    %convert_element_type3A_224 = arith.extui %eq3A_223 : vector<8x91xi1> to vector<8x91xi32>
    %convert_element_type3A_225 = arith.sitofp %convert_element_type3A_224 : vector<8x91xi32> to vector<8x91xf32>
    %add3A_226 = arith.addf %add3A_220, %convert_element_type3A_225 : vector<8x91xf32>
    %slice3A_227 = vector.extract_strided_slice %get3A_1 {offsets = [0, 38], sizes = [8, 1], strides = [1, 1]} : vector<8x50xi32> to vector<8x1xi32>
    %eq3A_228 = vector.broadcast %slice3A_227 : vector<8x1xi32> to vector<8x91xi32>
    %eq3A_229 = arith.cmpi eq, %eq3A_228, %iota3A : vector<8x91xi32>
    %convert_element_type3A_230 = arith.extui %eq3A_229 : vector<8x91xi1> to vector<8x91xi32>
    %convert_element_type3A_231 = arith.sitofp %convert_element_type3A_230 : vector<8x91xi32> to vector<8x91xf32>
    %add3A_232 = arith.addf %add3A_226, %convert_element_type3A_231 : vector<8x91xf32>
    %slice3A_233 = vector.extract_strided_slice %get3A_1 {offsets = [0, 39], sizes = [8, 1], strides = [1, 1]} : vector<8x50xi32> to vector<8x1xi32>
    %eq3A_234 = vector.broadcast %slice3A_233 : vector<8x1xi32> to vector<8x91xi32>
    %eq3A_235 = arith.cmpi eq, %eq3A_234, %iota3A : vector<8x91xi32>
    %convert_element_type3A_236 = arith.extui %eq3A_235 : vector<8x91xi1> to vector<8x91xi32>
    %convert_element_type3A_237 = arith.sitofp %convert_element_type3A_236 : vector<8x91xi32> to vector<8x91xf32>
    %add3A_238 = arith.addf %add3A_232, %convert_element_type3A_237 : vector<8x91xf32>
    %slice3A_239 = vector.extract_strided_slice %get3A_1 {offsets = [0, 40], sizes = [8, 1], strides = [1, 1]} : vector<8x50xi32> to vector<8x1xi32>
    %eq3A_240 = vector.broadcast %slice3A_239 : vector<8x1xi32> to vector<8x91xi32>
    %eq3A_241 = arith.cmpi eq, %eq3A_240, %iota3A : vector<8x91xi32>
    %convert_element_type3A_242 = arith.extui %eq3A_241 : vector<8x91xi1> to vector<8x91xi32>
    %convert_element_type3A_243 = arith.sitofp %convert_element_type3A_242 : vector<8x91xi32> to vector<8x91xf32>
    %add3A_244 = arith.addf %add3A_238, %convert_element_type3A_243 : vector<8x91xf32>
    %slice3A_245 = vector.extract_strided_slice %get3A_1 {offsets = [0, 41], sizes = [8, 1], strides = [1, 1]} : vector<8x50xi32> to vector<8x1xi32>
    %eq3A_246 = vector.broadcast %slice3A_245 : vector<8x1xi32> to vector<8x91xi32>
    %eq3A_247 = arith.cmpi eq, %eq3A_246, %iota3A : vector<8x91xi32>
    %convert_element_type3A_248 = arith.extui %eq3A_247 : vector<8x91xi1> to vector<8x91xi32>
    %convert_element_type3A_249 = arith.sitofp %convert_element_type3A_248 : vector<8x91xi32> to vector<8x91xf32>
    %add3A_250 = arith.addf %add3A_244, %convert_element_type3A_249 : vector<8x91xf32>
    %slice3A_251 = vector.extract_strided_slice %get3A_1 {offsets = [0, 42], sizes = [8, 1], strides = [1, 1]} : vector<8x50xi32> to vector<8x1xi32>
    %eq3A_252 = vector.broadcast %slice3A_251 : vector<8x1xi32> to vector<8x91xi32>
    %eq3A_253 = arith.cmpi eq, %eq3A_252, %iota3A : vector<8x91xi32>
    %convert_element_type3A_254 = arith.extui %eq3A_253 : vector<8x91xi1> to vector<8x91xi32>
    %convert_element_type3A_255 = arith.sitofp %convert_element_type3A_254 : vector<8x91xi32> to vector<8x91xf32>
    %add3A_256 = arith.addf %add3A_250, %convert_element_type3A_255 : vector<8x91xf32>
    %slice3A_257 = vector.extract_strided_slice %get3A_1 {offsets = [0, 43], sizes = [8, 1], strides = [1, 1]} : vector<8x50xi32> to vector<8x1xi32>
    %eq3A_258 = vector.broadcast %slice3A_257 : vector<8x1xi32> to vector<8x91xi32>
    %eq3A_259 = arith.cmpi eq, %eq3A_258, %iota3A : vector<8x91xi32>
    %convert_element_type3A_260 = arith.extui %eq3A_259 : vector<8x91xi1> to vector<8x91xi32>
    %convert_element_type3A_261 = arith.sitofp %convert_element_type3A_260 : vector<8x91xi32> to vector<8x91xf32>
    %add3A_262 = arith.addf %add3A_256, %convert_element_type3A_261 : vector<8x91xf32>
    %slice3A_263 = vector.extract_strided_slice %get3A_1 {offsets = [0, 44], sizes = [8, 1], strides = [1, 1]} : vector<8x50xi32> to vector<8x1xi32>
    %eq3A_264 = vector.broadcast %slice3A_263 : vector<8x1xi32> to vector<8x91xi32>
    %eq3A_265 = arith.cmpi eq, %eq3A_264, %iota3A : vector<8x91xi32>
    %convert_element_type3A_266 = arith.extui %eq3A_265 : vector<8x91xi1> to vector<8x91xi32>
    %convert_element_type3A_267 = arith.sitofp %convert_element_type3A_266 : vector<8x91xi32> to vector<8x91xf32>
    %add3A_268 = arith.addf %add3A_262, %convert_element_type3A_267 : vector<8x91xf32>
    %slice3A_269 = vector.extract_strided_slice %get3A_1 {offsets = [0, 45], sizes = [8, 1], strides = [1, 1]} : vector<8x50xi32> to vector<8x1xi32>
    %eq3A_270 = vector.broadcast %slice3A_269 : vector<8x1xi32> to vector<8x91xi32>
    %eq3A_271 = arith.cmpi eq, %eq3A_270, %iota3A : vector<8x91xi32>
    %convert_element_type3A_272 = arith.extui %eq3A_271 : vector<8x91xi1> to vector<8x91xi32>
    %convert_element_type3A_273 = arith.sitofp %convert_element_type3A_272 : vector<8x91xi32> to vector<8x91xf32>
    %add3A_274 = arith.addf %add3A_268, %convert_element_type3A_273 : vector<8x91xf32>
    %slice3A_275 = vector.extract_strided_slice %get3A_1 {offsets = [0, 46], sizes = [8, 1], strides = [1, 1]} : vector<8x50xi32> to vector<8x1xi32>
    %eq3A_276 = vector.broadcast %slice3A_275 : vector<8x1xi32> to vector<8x91xi32>
    %eq3A_277 = arith.cmpi eq, %eq3A_276, %iota3A : vector<8x91xi32>
    %convert_element_type3A_278 = arith.extui %eq3A_277 : vector<8x91xi1> to vector<8x91xi32>
    %convert_element_type3A_279 = arith.sitofp %convert_element_type3A_278 : vector<8x91xi32> to vector<8x91xf32>
    %add3A_280 = arith.addf %add3A_274, %convert_element_type3A_279 : vector<8x91xf32>
    %slice3A_281 = vector.extract_strided_slice %get3A_1 {offsets = [0, 47], sizes = [8, 1], strides = [1, 1]} : vector<8x50xi32> to vector<8x1xi32>
    %eq3A_282 = vector.broadcast %slice3A_281 : vector<8x1xi32> to vector<8x91xi32>
    %eq3A_283 = arith.cmpi eq, %eq3A_282, %iota3A : vector<8x91xi32>
    %convert_element_type3A_284 = arith.extui %eq3A_283 : vector<8x91xi1> to vector<8x91xi32>
    %convert_element_type3A_285 = arith.sitofp %convert_element_type3A_284 : vector<8x91xi32> to vector<8x91xf32>
    %add3A_286 = arith.addf %add3A_280, %convert_element_type3A_285 : vector<8x91xf32>
    %slice3A_287 = vector.extract_strided_slice %get3A_1 {offsets = [0, 48], sizes = [8, 1], strides = [1, 1]} : vector<8x50xi32> to vector<8x1xi32>
    %eq3A_288 = vector.broadcast %slice3A_287 : vector<8x1xi32> to vector<8x91xi32>
    %eq3A_289 = arith.cmpi eq, %eq3A_288, %iota3A : vector<8x91xi32>
    %convert_element_type3A_290 = arith.extui %eq3A_289 : vector<8x91xi1> to vector<8x91xi32>
    %convert_element_type3A_291 = arith.sitofp %convert_element_type3A_290 : vector<8x91xi32> to vector<8x91xf32>
    %add3A_292 = arith.addf %add3A_286, %convert_element_type3A_291 : vector<8x91xf32>
    %slice3A_293 = vector.extract_strided_slice %get3A_1 {offsets = [0, 49], sizes = [8, 1], strides = [1, 1]} : vector<8x50xi32> to vector<8x1xi32>
    %eq3A_294 = vector.broadcast %slice3A_293 : vector<8x1xi32> to vector<8x91xi32>
    %eq3A_295 = arith.cmpi eq, %eq3A_294, %iota3A : vector<8x91xi32>
    %convert_element_type3A_296 = arith.extui %eq3A_295 : vector<8x91xi1> to vector<8x91xi32>
    %convert_element_type3A_297 = arith.sitofp %convert_element_type3A_296 : vector<8x91xi32> to vector<8x91xf32>
    %add3A_298 = arith.addf %add3A_292, %convert_element_type3A_297 : vector<8x91xf32>
    %get3A_299 = arith.constant 0 : index
    %get3A_300 = arith.constant 0 : index
    %get3A_301 = vector.load %arg3[%get3A_299, %get3A_300] : memref<91x256xf32, #tpu.memory_space<vmem>>, vector<91x256xf32>
    %dot_general3A = arith.constant dense<0.000000e+00> : vector<8x256xf32>
    %dot_general3A_302 = tpu.matmul %add3A_298, %get3A_301, %dot_general3A {dimension_numbers = #tpu.dot_dimension_numbers<[1], [0], [0], [1], [0, 0, 1, 1], [], []>, transpose_lhs_hint = false} : vector<8x91xf32>, vector<91x256xf32>, vector<8x256xf32> -> vector<8x256xf32>
    %get3A_303 = arith.constant 0 : index
    %get3A_304 = arith.constant 0 : index
    %get3A_305 = vector.load %arg2[%get3A_303, %get3A_304] : memref<8x1xf32, #tpu.memory_space<vmem>>, vector<8x1xf32>
    %div3A = vector.broadcast %get3A_305 : vector<8x1xf32> to vector<8x256xf32>
    %div3A_306 = arith.divf %dot_general3A_302, %div3A : vector<8x256xf32>
    %get3A_307 = arith.constant 0 : index
    %get3A_308 = arith.constant 0 : index
    %get3A_309 = vector.load %arg4[%get3A_307, %get3A_308] : memref<8x2048xf32, #tpu.memory_space<vmem>>, vector<8x2048xf32>
    %get3A_310 = arith.constant 0 : index
    %get3A_311 = arith.constant 0 : index
    %get3A_312 = vector.load %arg5[%get3A_310, %get3A_311] : memref<2048x512xf32, #tpu.memory_space<vmem>>, vector<2048x512xf32>
    %dot_general3A_313 = arith.constant dense<0.000000e+00> : vector<8x512xf32>
    %dot_general3A_314 = tpu.matmul %get3A_309, %get3A_312, %dot_general3A_313 {dimension_numbers = #tpu.dot_dimension_numbers<[1], [0], [0], [1], [0, 0, 1, 1], [], []>, transpose_lhs_hint = false} : vector<8x2048xf32>, vector<2048x512xf32>, vector<8x512xf32> -> vector<8x512xf32>
    %get3A_315 = arith.constant 0 : index
    %get3A_316 = arith.constant 0 : index
    %get3A_317 = vector.load %arg6[%get3A_315, %get3A_316] : memref<1x512xf32, #tpu.memory_space<vmem>>, vector<1x512xf32>
    %add3A_318 = vector.broadcast %get3A_317 : vector<1x512xf32> to vector<8x512xf32>
    %add3A_319 = arith.addf %dot_general3A_314, %add3A_318 : vector<8x512xf32>
    %tanh3A = math.tanh %add3A_319 : vector<8x512xf32>
    %get3A_320 = arith.constant 0 : index
    %get3A_321 = arith.constant 0 : index
    %get3A_322 = vector.load %arg7[%get3A_320, %get3A_321] : memref<512x2048xf32, #tpu.memory_space<vmem>>, vector<512x2048xf32>
    %dot_general3A_323 = arith.constant dense<0.000000e+00> : vector<8x2048xf32>
    %dot_general3A_324 = tpu.matmul %tanh3A, %get3A_322, %dot_general3A_323 {dimension_numbers = #tpu.dot_dimension_numbers<[1], [0], [0], [1], [0, 0, 1, 1], [], []>, transpose_lhs_hint = false} : vector<8x512xf32>, vector<512x2048xf32>, vector<8x2048xf32> -> vector<8x2048xf32>
    %get3A_325 = arith.constant 0 : index
    %get3A_326 = arith.constant 0 : index
    %get3A_327 = vector.load %arg8[%get3A_325, %get3A_326] : memref<256x2048xf32, #tpu.memory_space<vmem>>, vector<256x2048xf32>
    %dot_general3A_328 = arith.constant dense<0.000000e+00> : vector<8x2048xf32>
    %dot_general3A_329 = tpu.matmul %div3A_306, %get3A_327, %dot_general3A_328 {dimension_numbers = #tpu.dot_dimension_numbers<[1], [0], [0], [1], [0, 0, 1, 1], [], []>, transpose_lhs_hint = false} : vector<8x256xf32>, vector<256x2048xf32>, vector<8x2048xf32> -> vector<8x2048xf32>
    %add3A_330 = arith.addf %dot_general3A_324, %dot_general3A_329 : vector<8x2048xf32>
    %get3A_331 = arith.constant 0 : index
    %get3A_332 = arith.constant 0 : index
    %get3A_333 = vector.load %arg9[%get3A_331, %get3A_332] : memref<1x2048xf32, #tpu.memory_space<vmem>>, vector<1x2048xf32>
    %add3A_334 = vector.broadcast %get3A_333 : vector<1x2048xf32> to vector<8x2048xf32>
    %add3A_335 = arith.addf %add3A_330, %add3A_334 : vector<8x2048xf32>
    %get3A_336 = arith.constant 0 : index
    %get3A_337 = arith.constant 0 : index
    %get3A_338 = vector.load %arg10[%get3A_336, %get3A_337] : memref<1x2048xf32, #tpu.memory_space<vmem>>, vector<1x2048xf32>
    %add3A_339 = vector.broadcast %get3A_338 : vector<1x2048xf32> to vector<8x2048xf32>
    %add3A_340 = arith.addf %add3A_335, %add3A_339 : vector<8x2048xf32>
    %swap3A = arith.constant 0 : index
    %swap3A_341 = arith.constant 0 : index
    %swap3A_342 = vector.load %arg11[%swap3A, %swap3A_341] : memref<8x2048xf32, #tpu.memory_space<vmem>>, vector<8x2048xf32>
    tpu.vector_store %arg11[%swap3A, %swap3A_341], %add3A_340 {strides = array<i32>} : memref<8x2048xf32, #tpu.memory_space<vmem>>, vector<8x2048xf32>,
    return
  }
  func.func @transform_0(%arg0: i32) -> (i32, i32) {
    %c0_i32 = arith.constant 0 : i32
    %c0_i32_0 = arith.constant 0 : i32
    %c0_i32_1 = arith.constant 0 : i32
    return %c0_i32, %c0_i32_0 : i32, i32
  }
  func.func @transform_1(%arg0: i32) -> (i32, i32) {
    %c0_i32 = arith.constant 0 : i32
    %c0_i32_0 = arith.constant 0 : i32
    %c0_i32_1 = arith.constant 0 : i32
    return %c0_i32, %c0_i32_0 : i32, i32
  }
  func.func @transform_2(%arg0: i32) -> (i32, i32) {
    %c0_i32 = arith.constant 0 : i32
    %c0_i32_0 = arith.constant 0 : i32
    %c0_i32_1 = arith.constant 0 : i32
    return %c0_i32, %c0_i32_0 : i32, i32
  }
  func.func @transform_3(%arg0: i32) -> (i32, i32) {
    %c0_i32 = arith.constant 0 : i32
    %c0_i32_0 = arith.constant 0 : i32
    %c0_i32_1 = arith.constant 0 : i32
    return %c0_i32, %c0_i32_0 : i32, i32
  }
  func.func @transform_4(%arg0: i32) -> (i32, i32) {
    %c0_i32 = arith.constant 0 : i32
    %c0_i32_0 = arith.constant 0 : i32
    %c0_i32_1 = arith.constant 0 : i32
    return %c0_i32, %c0_i32_0 : i32, i32
  }
  func.func @transform_5(%arg0: i32) -> (i32, i32) {
    %c0_i32 = arith.constant 0 : i32
    %c0_i32_0 = arith.constant 0 : i32
    %c0_i32_1 = arith.constant 0 : i32
    return %c0_i32, %c0_i32_0 : i32, i32
  }
  func.func @transform_6(%arg0: i32) -> (i32, i32) {
    %c1_i32 = arith.constant 1 : i32
    %c0_i32 = arith.constant 0 : i32
    %c0_i32_0 = arith.constant 0 : i32
    return %c1_i32, %c0_i32 : i32, i32
  }
  func.func @transform_7(%arg0: i32) -> (i32, i32) {
    %c4_i32 = arith.constant 4 : i32
    %c0_i32 = arith.constant 0 : i32
    %c0_i32_0 = arith.constant 0 : i32
    return %c4_i32, %c0_i32 : i32, i32
  }
  func.func @transform_8(%arg0: i32) -> (i32, i32) {
    %c0_i32 = arith.constant 0 : i32
    %c0_i32_0 = arith.constant 0 : i32
    %c0_i32_1 = arith.constant 0 : i32
    return %c0_i32, %c0_i32_0 : i32, i32
  }
  func.func @transform_9(%arg0: i32) -> (i32, i32) {
    %c0_i32 = arith.constant 0 : i32
    %c0_i32_0 = arith.constant 0 : i32
    %c0_i32_1 = arith.constant 0 : i32
    return %c0_i32, %c0_i32_0 : i32, i32
  }
  func.func @transform_10(%arg0: i32) -> (i32, i32) {
    %c0_i32 = arith.constant 0 : i32
    %c0_i32_0 = arith.constant 0 : i32
    %c0_i32_1 = arith.constant 0 : i32
    return %c0_i32, %c0_i32_0 : i32, i32
  }
}

module attributes {stable_mosaic.version = 14 : i64} {
  func.func @_scan_body(%arg0: i32, %arg1: memref<1024x512xf32, #tpu.memory_space<vmem>>, %arg2: memref<512x2048xf32, #tpu.memory_space<vmem>>, %arg3: memref<512x2048xf32, #tpu.memory_space<vmem>>, %arg4: memref<8x2048xf32, #tpu.memory_space<vmem>>, %arg5: memref<8x128x512xbf16, #tpu.memory_space<vmem>>, %arg6: memref<1024x2048xf32, #tpu.memory_space<vmem>>, %arg7: memref<512x2048xbf16, #tpu.memory_space<vmem>>, %arg8: memref<512x2048xbf16, #tpu.memory_space<vmem>>, %arg9: memref<1024x512xf32, #tpu.memory_space<vmem>>, %arg10: memref<8x512xf32, #tpu.memory_space<vmem>>, %arg11: memref<8x512xf32, #tpu.memory_space<vmem>>) attributes {dimension_semantics = [#tpu.dimension_semantics<arbitrary>], iteration_bounds = array<i64: 4>, scalar_prefetch = 0 : i64, scratch_operands = 6 : i64, tpu.core_type = #tpu.core_type<tc>, window_params = [{transform_indices = @transform_0, window_bounds = array<i64: 1024, 512>}, {transform_indices = @transform_1, window_bounds = array<i64: 512, 2048>}, {pipeline_mode = #tpu.pipeline_mode<synchronous>, transform_indices = @transform_2, window_bounds = array<i64: 512, 2048>}, {pipeline_mode = #tpu.pipeline_mode<synchronous>, transform_indices = @transform_3, window_bounds = array<i64: 8, 2048>}, {transform_indices = @transform_4, window_bounds = array<i64: 8, 128, 512>}]} {
    %eq3A = arith.constant 0 : i32
    %eq3A_0 = arith.cmpi eq, %arg0, %eq3A : i32
    %convert_element_type3A = arith.extui %eq3A_0 : i1 to i32
    %cond3A = arith.constant 0 : i32
    %cond3A_1 = arith.cmpi ne, %convert_element_type3A, %cond3A : i32
    scf.if %cond3A_1 {
      %broadcast_in_dim3A = arith.constant 0.000000e+00 : f32
      %broadcast_in_dim3A_42 = vector.broadcast %broadcast_in_dim3A : f32 to vector<8x512xf32>
      %swap3A_43 = arith.constant 0 : index
      %swap3A_44 = arith.constant 0 : index
      %swap3A_45 = vector.load %arg10[%swap3A_43, %swap3A_44] : memref<8x512xf32, #tpu.memory_space<vmem>>, vector<8x512xf32>
      tpu.vector_store %arg10[%swap3A_43, %swap3A_44], %broadcast_in_dim3A_42 {strides = array<i32>} : memref<8x512xf32, #tpu.memory_space<vmem>>, vector<8x512xf32>,
      %broadcast_in_dim3A_46 = arith.constant 0.000000e+00 : f32
      %broadcast_in_dim3A_47 = vector.broadcast %broadcast_in_dim3A_46 : f32 to vector<8x512xf32>
      %swap3A_48 = arith.constant 0 : index
      %swap3A_49 = arith.constant 0 : index
      %swap3A_50 = vector.load %arg11[%swap3A_48, %swap3A_49] : memref<8x512xf32, #tpu.memory_space<vmem>>, vector<8x512xf32>
      tpu.vector_store %arg11[%swap3A_48, %swap3A_49], %broadcast_in_dim3A_47 {strides = array<i32>} : memref<8x512xf32, #tpu.memory_space<vmem>>, vector<8x512xf32>,
      %get3A_51 = arith.constant 0 : index
      %get3A_52 = arith.constant 0 : index
      %get3A_53 = vector.load %arg2[%get3A_51, %get3A_52] : memref<512x2048xf32, #tpu.memory_space<vmem>>, vector<512x2048xf32>
      %convert_element_type3A_54 = arith.truncf %get3A_53 : vector<512x2048xf32> to vector<512x2048xbf16>
      %swap3A_55 = arith.constant 0 : index
      %swap3A_56 = arith.constant 0 : index
      %swap3A_57 = vector.load %arg7[%swap3A_55, %swap3A_56] : memref<512x2048xbf16, #tpu.memory_space<vmem>>, vector<512x2048xbf16>
      tpu.vector_store %arg7[%swap3A_55, %swap3A_56], %convert_element_type3A_54 {strides = array<i32>} : memref<512x2048xbf16, #tpu.memory_space<vmem>>, vector<512x2048xbf16>,
      %get3A_58 = arith.constant 0 : index
      %get3A_59 = arith.constant 0 : index
      %get3A_60 = vector.load %arg3[%get3A_58, %get3A_59] : memref<512x2048xf32, #tpu.memory_space<vmem>>, vector<512x2048xf32>
      %convert_element_type3A_61 = arith.truncf %get3A_60 : vector<512x2048xf32> to vector<512x2048xbf16>
      %swap3A_62 = arith.constant 0 : index
      %swap3A_63 = arith.constant 0 : index
      %swap3A_64 = vector.load %arg8[%swap3A_62, %swap3A_63] : memref<512x2048xbf16, #tpu.memory_space<vmem>>, vector<512x2048xbf16>
      tpu.vector_store %arg8[%swap3A_62, %swap3A_63], %convert_element_type3A_61 {strides = array<i32>} : memref<512x2048xbf16, #tpu.memory_space<vmem>>, vector<512x2048xbf16>,
    } else {
    }
    %get3A = arith.constant 0 : index
    %get3A_2 = arith.constant 0 : index
    %get3A_3 = vector.load %arg1[%get3A, %get3A_2] : memref<1024x512xf32, #tpu.memory_space<vmem>>, vector<1024x512xf32>
    %convert_element_type3A_4 = arith.truncf %get3A_3 : vector<1024x512xf32> to vector<1024x512xbf16>
    %get3A_5 = arith.constant 0 : index
    %get3A_6 = arith.constant 0 : index
    %get3A_7 = vector.load %arg7[%get3A_5, %get3A_6] : memref<512x2048xbf16, #tpu.memory_space<vmem>>, vector<512x2048xbf16>
    %dot_general3A = arith.constant dense<0.000000e+00> : vector<1024x2048xf32>
    %dot_general3A_8 = tpu.matmul %convert_element_type3A_4, %get3A_7, %dot_general3A {dimension_numbers = #tpu.dot_dimension_numbers<[1], [0], [0], [1], [0, 0, 1, 1], [], []>, transpose_lhs_hint = false} : vector<1024x512xbf16>, vector<512x2048xbf16>, vector<1024x2048xf32> -> vector<1024x2048xf32>
    %get3A_9 = arith.constant 0 : index
    %get3A_10 = arith.constant 0 : index
    %get3A_11 = vector.load %arg4[%get3A_9, %get3A_10] : memref<8x2048xf32, #tpu.memory_space<vmem>>, vector<8x2048xf32>
    %tile3A = tpu.concatenate %get3A_11, %get3A_11, %get3A_11, %get3A_11, %get3A_11, %get3A_11, %get3A_11, %get3A_11, %get3A_11, %get3A_11, %get3A_11, %get3A_11, %get3A_11, %get3A_11, %get3A_11, %get3A_11, %get3A_11, %get3A_11, %get3A_11, %get3A_11, %get3A_11, %get3A_11, %get3A_11, %get3A_11, %get3A_11, %get3A_11, %get3A_11, %get3A_11, %get3A_11, %get3A_11, %get3A_11, %get3A_11, %get3A_11, %get3A_11, %get3A_11, %get3A_11, %get3A_11, %get3A_11, %get3A_11, %get3A_11, %get3A_11, %get3A_11, %get3A_11, %get3A_11, %get3A_11, %get3A_11, %get3A_11, %get3A_11, %get3A_11, %get3A_11, %get3A_11, %get3A_11, %get3A_11, %get3A_11, %get3A_11, %get3A_11, %get3A_11, %get3A_11, %get3A_11, %get3A_11, %get3A_11, %get3A_11, %get3A_11, %get3A_11, %get3A_11, %get3A_11, %get3A_11, %get3A_11, %get3A_11, %get3A_11, %get3A_11, %get3A_11, %get3A_11, %get3A_11, %get3A_11, %get3A_11, %get3A_11, %get3A_11, %get3A_11, %get3A_11, %get3A_11, %get3A_11, %get3A_11, %get3A_11, %get3A_11, %get3A_11, %get3A_11, %get3A_11, %get3A_11, %get3A_11, %get3A_11, %get3A_11, %get3A_11, %get3A_11, %get3A_11, %get3A_11, %get3A_11, %get3A_11, %get3A_11, %get3A_11, %get3A_11, %get3A_11, %get3A_11, %get3A_11, %get3A_11, %get3A_11, %get3A_11, %get3A_11, %get3A_11, %get3A_11, %get3A_11, %get3A_11, %get3A_11, %get3A_11, %get3A_11, %get3A_11, %get3A_11, %get3A_11, %get3A_11, %get3A_11, %get3A_11, %get3A_11, %get3A_11, %get3A_11, %get3A_11, %get3A_11, %get3A_11, %get3A_11 in 0 : vector<8x2048xf32>, vector<8x2048xf32>, vector<8x2048xf32>, vector<8x2048xf32>, vector<8x2048xf32>, vector<8x2048xf32>, vector<8x2048xf32>, vector<8x2048xf32>, vector<8x2048xf32>, vector<8x2048xf32>, vector<8x2048xf32>, vector<8x2048xf32>, vector<8x2048xf32>, vector<8x2048xf32>, vector<8x2048xf32>, vector<8x2048xf32>, vector<8x2048xf32>, vector<8x2048xf32>, vector<8x2048xf32>, vector<8x2048xf32>, vector<8x2048xf32>, vector<8x2048xf32>, vector<8x2048xf32>, vector<8x2048xf32>, vector<8x2048xf32>, vector<8x2048xf32>, vector<8x2048xf32>, vector<8x2048xf32>, vector<8x2048xf32>, vector<8x2048xf32>, vector<8x2048xf32>, vector<8x2048xf32>, vector<8x2048xf32>, vector<8x2048xf32>, vector<8x2048xf32>, vector<8x2048xf32>, vector<8x2048xf32>, vector<8x2048xf32>, vector<8x2048xf32>, vector<8x2048xf32>, vector<8x2048xf32>, vector<8x2048xf32>, vector<8x2048xf32>, vector<8x2048xf32>, vector<8x2048xf32>, vector<8x2048xf32>, vector<8x2048xf32>, vector<8x2048xf32>, vector<8x2048xf32>, vector<8x2048xf32>, vector<8x2048xf32>, vector<8x2048xf32>, vector<8x2048xf32>, vector<8x2048xf32>, vector<8x2048xf32>, vector<8x2048xf32>, vector<8x2048xf32>, vector<8x2048xf32>, vector<8x2048xf32>, vector<8x2048xf32>, vector<8x2048xf32>, vector<8x2048xf32>, vector<8x2048xf32>, vector<8x2048xf32>, vector<8x2048xf32>, vector<8x2048xf32>, vector<8x2048xf32>, vector<8x2048xf32>, vector<8x2048xf32>, vector<8x2048xf32>, vector<8x2048xf32>, vector<8x2048xf32>, vector<8x2048xf32>, vector<8x2048xf32>, vector<8x2048xf32>, vector<8x2048xf32>, vector<8x2048xf32>, vector<8x2048xf32>, vector<8x2048xf32>, vector<8x2048xf32>, vector<8x2048xf32>, vector<8x2048xf32>, vector<8x2048xf32>, vector<8x2048xf32>, vector<8x2048xf32>, vector<8x2048xf32>, vector<8x2048xf32>, vector<8x2048xf32>, vector<8x2048xf32>, vector<8x2048xf32>, vector<8x2048xf32>, vector<8x2048xf32>, vector<8x2048xf32>, vector<8x2048xf32>, vector<8x2048xf32>, vector<8x2048xf32>, vector<8x2048xf32>, vector<8x2048xf32>, vector<8x2048xf32>, vector<8x2048xf32>, vector<8x2048xf32>, vector<8x2048xf32>, vector<8x2048xf32>, vector<8x2048xf32>, vector<8x2048xf32>, vector<8x2048xf32>, vector<8x2048xf32>, vector<8x2048xf32>, vector<8x2048xf32>, vector<8x2048xf32>, vector<8x2048xf32>, vector<8x2048xf32>, vector<8x2048xf32>, vector<8x2048xf32>, vector<8x2048xf32>, vector<8x2048xf32>, vector<8x2048xf32>, vector<8x2048xf32>, vector<8x2048xf32>, vector<8x2048xf32>, vector<8x2048xf32>, vector<8x2048xf32>, vector<8x2048xf32>, vector<8x2048xf32>, vector<8x2048xf32>, vector<8x2048xf32>, vector<8x2048xf32>, vector<8x2048xf32> -> vector<1024x2048xf32>
    %add3A = arith.addf %dot_general3A_8, %tile3A : vector<1024x2048xf32>
    %swap3A = arith.constant 0 : index
    %swap3A_12 = arith.constant 0 : index
    %swap3A_13 = vector.load %arg6[%swap3A, %swap3A_12] : memref<1024x2048xf32, #tpu.memory_space<vmem>>, vector<1024x2048xf32>
    tpu.vector_store %arg6[%swap3A, %swap3A_12], %add3A {strides = array<i32>} : memref<1024x2048xf32, #tpu.memory_space<vmem>>, vector<1024x2048xf32>,
    %get3A_14 = arith.constant 0 : index
    %get3A_15 = arith.constant 0 : index
    %get3A_16 = vector.load %arg8[%get3A_14, %get3A_15] : memref<512x2048xbf16, #tpu.memory_space<vmem>>, vector<512x2048xbf16>
    %get3A_17 = arith.constant 0 : index
    %get3A_18 = arith.constant 0 : index
    %get3A_19 = vector.load %arg10[%get3A_17, %get3A_18] : memref<8x512xf32, #tpu.memory_space<vmem>>, vector<8x512xf32>
    %get3A_20 = arith.constant 0 : index
    %get3A_21 = arith.constant 0 : index
    %get3A_22 = vector.load %arg11[%get3A_20, %get3A_21] : memref<8x512xf32, #tpu.memory_space<vmem>>, vector<8x512xf32>
    %scan3A = arith.constant 0 : i32
    %scan3A_23 = arith.constant 64 : i32
    %scan3A_24 = arith.addi %scan3A, %scan3A_23 : i32
    %scan3A_25 = arith.constant 1 : i32
    %scan3A_26:2 = scf.for %scan3A_42 = %scan3A to %scan3A_24 step %scan3A_25 iter_args(%scan3A_43 = %get3A_19, %scan3A_44 = %get3A_22) -> (vector<8x512xf32>, vector<8x512xf32>)  : i32 {
      %mul3A = arith.constant 2 : i32
      %mul3A_45 = arith.muli %mul3A, %scan3A_42 : i32
      %mul3A_46 = arith.constant 8 : i32
      %mul3A_47 = arith.muli %mul3A_45, %mul3A_46 : i32
      %get3A_48 = arith.index_cast %mul3A_47 : i32 to index
      %get3A_49 = arith.constant 0 : index
      %get3A_50 = vector.load %arg6[%get3A_48, %get3A_49] : memref<1024x2048xf32, #tpu.memory_space<vmem>>, vector<8x2048xf32>
      %convert_element_type3A_51 = arith.truncf %scan3A_43 : vector<8x512xf32> to vector<8x512xbf16>
      %dot_general3A_52 = arith.constant dense<0.000000e+00> : vector<8x2048xf32>
      %dot_general3A_53 = tpu.matmul %convert_element_type3A_51, %get3A_16, %dot_general3A_52 {dimension_numbers = #tpu.dot_dimension_numbers<[1], [0], [0], [1], [0, 0, 1, 1], [], []>, transpose_lhs_hint = false} : vector<8x512xbf16>, vector<512x2048xbf16>, vector<8x2048xf32> -> vector<8x2048xf32>
      %add3A_54 = arith.addf %get3A_50, %dot_general3A_53 : vector<8x2048xf32>
      %slice3A = vector.extract_strided_slice %add3A_54 {offsets = [0, 0], sizes = [8, 512], strides = [1, 1]} : vector<8x2048xf32> to vector<8x512xf32>
      %logistic3A = arith.negf %slice3A : vector<8x512xf32>
      %logistic3A_55 = math.exp %logistic3A : vector<8x512xf32>
      %logistic3A_56 = arith.constant 1.000000e+00 : f32
      %logistic3A_57 = vector.broadcast %logistic3A_56 : f32 to vector<8x512xf32>
      %logistic3A_58 = arith.addf %logistic3A_57, %logistic3A_55 : vector<8x512xf32>
      %logistic3A_59 = arith.divf %logistic3A_57, %logistic3A_58 : vector<8x512xf32>
      %slice3A_60 = vector.extract_strided_slice %add3A_54 {offsets = [0, 512], sizes = [8, 512], strides = [1, 1]} : vector<8x2048xf32> to vector<8x512xf32>
      %logistic3A_61 = arith.negf %slice3A_60 : vector<8x512xf32>
      %logistic3A_62 = math.exp %logistic3A_61 : vector<8x512xf32>
      %logistic3A_63 = arith.constant 1.000000e+00 : f32
      %logistic3A_64 = vector.broadcast %logistic3A_63 : f32 to vector<8x512xf32>
      %logistic3A_65 = arith.addf %logistic3A_64, %logistic3A_62 : vector<8x512xf32>
      %logistic3A_66 = arith.divf %logistic3A_64, %logistic3A_65 : vector<8x512xf32>
      %slice3A_67 = vector.extract_strided_slice %add3A_54 {offsets = [0, 1024], sizes = [8, 512], strides = [1, 1]} : vector<8x2048xf32> to vector<8x512xf32>
      %tanh3A = math.tanh %slice3A_67 : vector<8x512xf32>
      %slice3A_68 = vector.extract_strided_slice %add3A_54 {offsets = [0, 1536], sizes = [8, 512], strides = [1, 1]} : vector<8x2048xf32> to vector<8x512xf32>
      %logistic3A_69 = arith.negf %slice3A_68 : vector<8x512xf32>
      %logistic3A_70 = math.exp %logistic3A_69 : vector<8x512xf32>
      %logistic3A_71 = arith.constant 1.000000e+00 : f32
      %logistic3A_72 = vector.broadcast %logistic3A_71 : f32 to vector<8x512xf32>
      %logistic3A_73 = arith.addf %logistic3A_72, %logistic3A_70 : vector<8x512xf32>
      %logistic3A_74 = arith.divf %logistic3A_72, %logistic3A_73 : vector<8x512xf32>
      %mul3A_75 = arith.mulf %logistic3A_66, %scan3A_44 : vector<8x512xf32>
      %mul3A_76 = arith.mulf %logistic3A_59, %tanh3A : vector<8x512xf32>
      %add3A_77 = arith.addf %mul3A_75, %mul3A_76 : vector<8x512xf32>
      %tanh3A_78 = math.tanh %add3A_77 : vector<8x512xf32>
      %mul3A_79 = arith.mulf %logistic3A_74, %tanh3A_78 : vector<8x512xf32>
      %mul3A_80 = arith.constant 8 : i32
      %mul3A_81 = arith.muli %mul3A_45, %mul3A_80 : i32
      %swap3A_82 = arith.index_cast %mul3A_81 : i32 to index
      %swap3A_83 = arith.constant 0 : index
      %swap3A_84 = vector.load %arg9[%swap3A_82, %swap3A_83] : memref<1024x512xf32, #tpu.memory_space<vmem>>, vector<8x512xf32>
      tpu.vector_store %arg9[%swap3A_82, %swap3A_83], %mul3A_79 {strides = array<i32>} : memref<1024x512xf32, #tpu.memory_space<vmem>>, vector<8x512xf32>,
      %mul3A_85 = arith.constant 2 : i32
      %mul3A_86 = arith.muli %mul3A_85, %scan3A_42 : i32
      %add3A_87 = arith.constant 1 : i32
      %add3A_88 = arith.addi %mul3A_86, %add3A_87 : i32
      %mul3A_89 = arith.constant 8 : i32
      %mul3A_90 = arith.muli %add3A_88, %mul3A_89 : i32
      %get3A_91 = arith.index_cast %mul3A_90 : i32 to index
      %get3A_92 = arith.constant 0 : index
      %get3A_93 = vector.load %arg6[%get3A_91, %get3A_92] : memref<1024x2048xf32, #tpu.memory_space<vmem>>, vector<8x2048xf32>
      %convert_element_type3A_94 = arith.truncf %mul3A_79 : vector<8x512xf32> to vector<8x512xbf16>
      %dot_general3A_95 = arith.constant dense<0.000000e+00> : vector<8x2048xf32>
      %dot_general3A_96 = tpu.matmul %convert_element_type3A_94, %get3A_16, %dot_general3A_95 {dimension_numbers = #tpu.dot_dimension_numbers<[1], [0], [0], [1], [0, 0, 1, 1], [], []>, transpose_lhs_hint = false} : vector<8x512xbf16>, vector<512x2048xbf16>, vector<8x2048xf32> -> vector<8x2048xf32>
      %add3A_97 = arith.addf %get3A_93, %dot_general3A_96 : vector<8x2048xf32>
      %slice3A_98 = vector.extract_strided_slice %add3A_97 {offsets = [0, 0], sizes = [8, 512], strides = [1, 1]} : vector<8x2048xf32> to vector<8x512xf32>
      %logistic3A_99 = arith.negf %slice3A_98 : vector<8x512xf32>
      %logistic3A_100 = math.exp %logistic3A_99 : vector<8x512xf32>
      %logistic3A_101 = arith.constant 1.000000e+00 : f32
      %logistic3A_102 = vector.broadcast %logistic3A_101 : f32 to vector<8x512xf32>
      %logistic3A_103 = arith.addf %logistic3A_102, %logistic3A_100 : vector<8x512xf32>
      %logistic3A_104 = arith.divf %logistic3A_102, %logistic3A_103 : vector<8x512xf32>
      %slice3A_105 = vector.extract_strided_slice %add3A_97 {offsets = [0, 512], sizes = [8, 512], strides = [1, 1]} : vector<8x2048xf32> to vector<8x512xf32>
      %logistic3A_106 = arith.negf %slice3A_105 : vector<8x512xf32>
      %logistic3A_107 = math.exp %logistic3A_106 : vector<8x512xf32>
      %logistic3A_108 = arith.constant 1.000000e+00 : f32
      %logistic3A_109 = vector.broadcast %logistic3A_108 : f32 to vector<8x512xf32>
      %logistic3A_110 = arith.addf %logistic3A_109, %logistic3A_107 : vector<8x512xf32>
      %logistic3A_111 = arith.divf %logistic3A_109, %logistic3A_110 : vector<8x512xf32>
      %slice3A_112 = vector.extract_strided_slice %add3A_97 {offsets = [0, 1024], sizes = [8, 512], strides = [1, 1]} : vector<8x2048xf32> to vector<8x512xf32>
      %tanh3A_113 = math.tanh %slice3A_112 : vector<8x512xf32>
      %slice3A_114 = vector.extract_strided_slice %add3A_97 {offsets = [0, 1536], sizes = [8, 512], strides = [1, 1]} : vector<8x2048xf32> to vector<8x512xf32>
      %logistic3A_115 = arith.negf %slice3A_114 : vector<8x512xf32>
      %logistic3A_116 = math.exp %logistic3A_115 : vector<8x512xf32>
      %logistic3A_117 = arith.constant 1.000000e+00 : f32
      %logistic3A_118 = vector.broadcast %logistic3A_117 : f32 to vector<8x512xf32>
      %logistic3A_119 = arith.addf %logistic3A_118, %logistic3A_116 : vector<8x512xf32>
      %logistic3A_120 = arith.divf %logistic3A_118, %logistic3A_119 : vector<8x512xf32>
      %mul3A_121 = arith.mulf %logistic3A_111, %add3A_77 : vector<8x512xf32>
      %mul3A_122 = arith.mulf %logistic3A_104, %tanh3A_113 : vector<8x512xf32>
      %add3A_123 = arith.addf %mul3A_121, %mul3A_122 : vector<8x512xf32>
      %tanh3A_124 = math.tanh %add3A_123 : vector<8x512xf32>
      %mul3A_125 = arith.mulf %logistic3A_120, %tanh3A_124 : vector<8x512xf32>
      %mul3A_126 = arith.constant 8 : i32
      %mul3A_127 = arith.muli %add3A_88, %mul3A_126 : i32
      %swap3A_128 = arith.index_cast %mul3A_127 : i32 to index
      %swap3A_129 = arith.constant 0 : index
      %swap3A_130 = vector.load %arg9[%swap3A_128, %swap3A_129] : memref<1024x512xf32, #tpu.memory_space<vmem>>, vector<8x512xf32>
      tpu.vector_store %arg9[%swap3A_128, %swap3A_129], %mul3A_125 {strides = array<i32>} : memref<1024x512xf32, #tpu.memory_space<vmem>>, vector<8x512xf32>,
      scf.yield %mul3A_125, %add3A_123 : vector<8x512xf32>, vector<8x512xf32>
    }
    %scan3A_27 = arith.constant 64 : i32
    %swap3A_28 = arith.constant 0 : index
    %swap3A_29 = arith.constant 0 : index
    %swap3A_30 = vector.load %arg10[%swap3A_28, %swap3A_29] : memref<8x512xf32, #tpu.memory_space<vmem>>, vector<8x512xf32>
    tpu.vector_store %arg10[%swap3A_28, %swap3A_29], %scan3A_26#0 {strides = array<i32>} : memref<8x512xf32, #tpu.memory_space<vmem>>, vector<8x512xf32>,
    %swap3A_31 = arith.constant 0 : index
    %swap3A_32 = arith.constant 0 : index
    %swap3A_33 = vector.load %arg11[%swap3A_31, %swap3A_32] : memref<8x512xf32, #tpu.memory_space<vmem>>, vector<8x512xf32>
    tpu.vector_store %arg11[%swap3A_31, %swap3A_32], %scan3A_26#1 {strides = array<i32>} : memref<8x512xf32, #tpu.memory_space<vmem>>, vector<8x512xf32>,
    %get3A_34 = arith.constant 0 : index
    %get3A_35 = arith.constant 0 : index
    %get3A_36 = vector.load %arg9[%get3A_34, %get3A_35] : memref<1024x512xf32, #tpu.memory_space<vmem>>, vector<1024x512xf32>
    %reshape3A = vector.shape_cast %get3A_36 : vector<1024x512xf32> to vector<128x8x512xf32>
    %transpose3A = tpu.transpose %reshape3A, [1, 0, 2] : vector<128x8x512xf32> -> vector<8x128x512xf32>
    %convert_element_type3A_37 = arith.truncf %transpose3A : vector<8x128x512xf32> to vector<8x128x512xbf16>
    %swap3A_38 = arith.constant 0 : index
    %swap3A_39 = arith.constant 0 : index
    %swap3A_40 = arith.constant 0 : index
    %swap3A_41 = vector.load %arg5[%swap3A_38, %swap3A_39, %swap3A_40] : memref<8x128x512xbf16, #tpu.memory_space<vmem>>, vector<8x128x512xbf16>
    tpu.vector_store %arg5[%swap3A_38, %swap3A_39, %swap3A_40], %convert_element_type3A_37 {strides = array<i32>} : memref<8x128x512xbf16, #tpu.memory_space<vmem>>, vector<8x128x512xbf16>,
    return
  }
  func.func @transform_0(%arg0: i32) -> (i32, i32) {
    %c0_i32 = arith.constant 0 : i32
    %c0_i32_0 = arith.constant 0 : i32
    return %arg0, %c0_i32 : i32, i32
  }
  func.func @transform_1(%arg0: i32) -> (i32, i32) {
    %c0_i32 = arith.constant 0 : i32
    %c0_i32_0 = arith.constant 0 : i32
    %c0_i32_1 = arith.constant 0 : i32
    return %c0_i32, %c0_i32_0 : i32, i32
  }
  func.func @transform_2(%arg0: i32) -> (i32, i32) {
    %c0_i32 = arith.constant 0 : i32
    %c0_i32_0 = arith.constant 0 : i32
    %c0_i32_1 = arith.constant 0 : i32
    return %c0_i32, %c0_i32_0 : i32, i32
  }
  func.func @transform_3(%arg0: i32) -> (i32, i32) {
    %c0_i32 = arith.constant 0 : i32
    %c0_i32_0 = arith.constant 0 : i32
    %c0_i32_1 = arith.constant 0 : i32
    return %c0_i32, %c0_i32_0 : i32, i32
  }
  func.func @transform_4(%arg0: i32) -> (i32, i32, i32) {
    %c0_i32 = arith.constant 0 : i32
    %c0_i32_0 = arith.constant 0 : i32
    %c0_i32_1 = arith.constant 0 : i32
    return %c0_i32, %arg0, %c0_i32_0 : i32, i32, i32
  }
}

module attributes {stable_mosaic.version = 14 : i64} {
  func.func @_proj_body(%arg0: i32, %arg1: memref<4096x512xbf16, #tpu.memory_space<vmem>>, %arg2: memref<352x512xbf16, #tpu.memory_space<vmem>>, %arg3: memref<352x1xf32, #tpu.memory_space<vmem>>, %arg4: memref<352x8x512xf32, #tpu.memory_space<vmem>>) attributes {dimension_semantics = [#tpu.dimension_semantics<arbitrary>], iteration_bounds = array<i64: 14>, scalar_prefetch = 0 : i64, scratch_operands = 0 : i64, tpu.core_type = #tpu.core_type<tc>, window_params = [{pipeline_mode = #tpu.pipeline_mode<synchronous>, transform_indices = @transform_0, window_bounds = array<i64: 4096, 512>}, {transform_indices = @transform_1, window_bounds = array<i64: 352, 512>}, {transform_indices = @transform_2, window_bounds = array<i64: 352, 1>}, {transform_indices = @transform_3, window_bounds = array<i64: 352, 8, 512>}]} {
    %get3A = arith.constant 0 : index
    %get3A_0 = arith.constant 0 : index
    %get3A_1 = vector.load %arg2[%get3A, %get3A_0] : memref<352x512xbf16, #tpu.memory_space<vmem>>, vector<352x512xbf16>
    %get3A_2 = arith.constant 0 : index
    %get3A_3 = arith.constant 0 : index
    %get3A_4 = vector.load %arg1[%get3A_2, %get3A_3] : memref<4096x512xbf16, #tpu.memory_space<vmem>>, vector<4096x512xbf16>
    %dot_general3A = arith.constant dense<0.000000e+00> : vector<352x4096xf32>
    %dot_general3A_5 = tpu.matmul %get3A_1, %get3A_4, %dot_general3A {dimension_numbers = #tpu.dot_dimension_numbers<[1], [1], [0], [0], [0, 0, 1, 0], [], []>, transpose_lhs_hint = false} : vector<352x512xbf16>, vector<4096x512xbf16>, vector<352x4096xf32> -> vector<352x4096xf32>
    %get3A_6 = arith.constant 0 : index
    %get3A_7 = arith.constant 0 : index
    %get3A_8 = vector.load %arg3[%get3A_6, %get3A_7] : memref<352x1xf32, #tpu.memory_space<vmem>>, vector<352x1xf32>
    %add3A = vector.broadcast %get3A_8 : vector<352x1xf32> to vector<352x4096xf32>
    %add3A_9 = arith.addf %dot_general3A_5, %add3A : vector<352x4096xf32>
    %reshape3A = vector.shape_cast %add3A_9 : vector<352x4096xf32> to vector<352x8x512xf32>
    %swap3A = arith.constant 0 : index
    %swap3A_10 = arith.constant 0 : index
    %swap3A_11 = arith.constant 0 : index
    %swap3A_12 = vector.load %arg4[%swap3A, %swap3A_10, %swap3A_11] : memref<352x8x512xf32, #tpu.memory_space<vmem>>, vector<352x8x512xf32>
    tpu.vector_store %arg4[%swap3A, %swap3A_10, %swap3A_11], %reshape3A {strides = array<i32>} : memref<352x8x512xf32, #tpu.memory_space<vmem>>, vector<352x8x512xf32>,
    return
  }
  func.func @transform_0(%arg0: i32) -> (i32, i32) {
    %c0_i32 = arith.constant 0 : i32
    %c0_i32_0 = arith.constant 0 : i32
    %c0_i32_1 = arith.constant 0 : i32
    return %c0_i32, %c0_i32_0 : i32, i32
  }
  func.func @transform_1(%arg0: i32) -> (i32, i32) {
    %c0_i32 = arith.constant 0 : i32
    %c0_i32_0 = arith.constant 0 : i32
    return %arg0, %c0_i32 : i32, i32
  }
  func.func @transform_2(%arg0: i32) -> (i32, i32) {
    %c0_i32 = arith.constant 0 : i32
    %c0_i32_0 = arith.constant 0 : i32
    return %arg0, %c0_i32 : i32, i32
  }
  func.func @transform_3(%arg0: i32) -> (i32, i32, i32) {
    %c0_i32 = arith.constant 0 : i32
    %c0_i32_0 = arith.constant 0 : i32
    %c0_i32_1 = arith.constant 0 : i32
    return %arg0, %c0_i32, %c0_i32_0 : i32, i32, i32
  }
}

</mosaic_0001>

<sc_bundles>
// kernel: kernel.6.cloned.1.call-start
scs
__scs_entry_jumppad:
0x0: {  	(pc) =	sbr.rel $0x88, $3  }
0x1: {  	(tag) =	ssettag $0x0;
	lr =	simm.s32 $0x1  }
0x2: {  	[smem:$0x3F93] =	sst lr;
	_ =	strace $0xD0000000  }
0x3: {  	_ = 	snop  }
0x4: {  	_ = 	snop  }
0x5: {  	_ = 	snop  }
0x6: {  	_ = 	snop  }
0x7: {  	_ = 	snop  }
__scs_overlays_trampoline_lowered:
0x8: {  	[smem:$0x3FA2] =	sst s0  }
0x9: {  	[smem:$0x3FA3] =	sst s1  }
0xa: {  	[smem:$0x3FA4] =	sst s2  }
0xb: {  	[smem:$0x3FA5] =	sst s3  }
0xc: {  	[smem:$0x3FA6] =	sst s4  }
0xd: {  	[smem:$0x3FA7] =	sst s5  }
0xe: {  	[smem:$0x3FA8] =	sst s6  }
0xf: {  	[smem:$0x3FA9] =	sst s7  }
0x10: {  	[smem:$0x3FAA] =	sst s8  }
0x11: {  	[smem:$0x3FAB] =	sst s9;
	s0 =	simm.s32 @!p0 $0x0  }
0x12: {  	s1 =	sld [smem:$0x3F91];
	s0 =	simm.s32 @p0 $0x1  }
0x13: {  	[smem:$0x3FAC] =	sst s0;
	s0 =	simm.s32 @!p1 $0x0  }
0x14: {  	s2 =	sld [smem:$0x3F90];
	s0 =	simm.s32 @p1 $0x1  }
0x15: {  	[smem:$0x3FAD] =	sst s0;
	s0 =	simm.s32 @!p2 $0x0  }
0x16: {  	s3 =	sld [smem:$0x3FDB];
	s0 =	simm.s32 @p2 $0x1  }
0x17: {  	s4 =	simm.s32 $0x1BF5;
	[smem:$0x3FAF] =	sst s0  }
0x18: {  	s0 =	sld [smem:$0x3F92];
	_ =	swait.ge [sflag:s4], $0x0  }
0x19: {  	s7 =	sld [smem:$0x3F93]  }
0x1a: {  	s8 =	sadd.s32 $0xFFFFE003, lr  }
0x1b: {  	s9 =	sadd.s32 $0xFFFFFEF7, lr;
	s5 =	simm.s32 $0xFFFFFFFF;
	p2 =	slt.u32 s8, $0xFFFFF086  }
0x1c: {  	p1 =	slt.u32 s9, $0xF7A;
	s5 =	simm.s32 @!p2 $0x0  }
0x1d: {  	s5 =	simm.s32 @p1 $0x1;
	p0 =	seq.s32 s7, s2  }
0x1e: {  	s7 =	smul.u32 @!p0 $0xF7A, s2;
	p2 =	seq.s32 @!p0 s5, $0x0  }
0x1f: {  	s9 =	smul.u32 $0xF7A, s1;
	s8 =	simm.s32 @!p0 $0x1BF5;
	p2 =	por !p2, p0  }
0x20: {  	[sflag:s8] =	ssyncset.s32 @!p0 $0xFFFFF086;
	s6 =	sadd.s32 @!p0 s3, s7;
	s7 =	simm.s32 @!p0 $0x108  }
0x21: {  	s3 =	sadd.s32 s3, s9;
	s6 =	sadd.s32 @!p0 $0x88, s6;
	s7 =	simm.s32 @p2 $0x1082  }
0x22: {  	[simem:s7], [sflag:s8] =	dma.local @!p0 [hbm:s6], $0xF7A  }
0x23: {  	s9 =	sor.u32 $0xD0000000, s2;
	s6 =	simm.s32 $0x108;
	_ =	swait.ge @!p0 [sflag:s8], $0x0  }
0x24: {  	s3 =	sadd.s32 $0x88, s3;
	s6 =	simm.s32 @!p1 $0x1082;
	[sflag:s4] =	ssyncset.s32 $0xFFFFF086  }
0x25: {  	[simem:s6], [sflag:s4] =	dma.local [hbm:s3], $0xF7A  }
0x26: {  	[smem:$0x3F93] =	sst s1;
	(tag) =	ssettag s2;
	_ =	strace s9  }
0x27: {  	s1 =	sld [smem:$0x3FA3]  }
0x28: {  	s2 =	sld [smem:$0x3FA4]  }
0x29: {  	s4 =	sld [smem:$0x3FA6]  }
0x2a: {  	p0 =	seq.s32 s5, $0x0;
	s5 =	sld [smem:$0x3FA7]  }
0x2b: {  	s6 =	sld [smem:$0x3FA8]  }
0x2c: {  	s7 =	sld [smem:$0x3FA9]  }
0x2d: {  	s3 =	simm.s32 $0x108;
	s8 =	sld [smem:$0x3FAA]  }
0x2e: {  	s3 =	simm.s32 @!p0 $0x1082;
	s9 =	sld [smem:$0x3FAB]  }
0x2f: {  	lr =	sadd.s32 s0, s3;
	s0 =	sld [smem:$0x3FA2]  }
0x30: {  	s3 =	sld [smem:$0x3FA5]  }
0x31: {  	[smem:$0x3FAE] =	sst s10  }
0x32: {  	s10 =	sld [smem:$0x3FAC];
	_ =	sdelay $0x3  }
0x33: {  	p0 =	seq.s32 s10, $0x1;
	s10 =	sld [smem:$0x3FAE];
	_ =	sdelay $0x3  }
0x34: {  	[smem:$0x3FAE] =	sst s10  }
0x35: {  	s10 =	sld [smem:$0x3FAD];
	_ =	sdelay $0x3  }
0x36: {  	p1 =	seq.s32 s10, $0x1;
	s10 =	sld [smem:$0x3FAE];
	_ =	sdelay $0x3  }
0x37: {  	[smem:$0x3FAE] =	sst s10  }
0x38: {  	s10 =	sld [smem:$0x3FAF]  }
0x39: {  	_ = 	snop;
	(pc) =	sbr.ind lr, $3  }
0x3a: {  	_ = 	snop  }
0x3b: {  	_ = 	snop  }
0x3c: {  	p2 =	seq.s32 s10, $0x1;
	s10 =	sld [smem:$0x3FAE]  }
0x3d: {  	_ =	shalt  }
0x3e: {  	_ =	shalt  }
0x3f: {  	_ =	shalt  }
0x40: {  	_ =	shalt  }
0x41: {  	_ =	shalt  }
0x42: {  	_ =	shalt  }
0x43: {  	_ =	shalt  }
0x44: {  	_ =	shalt  }
0x45: {  	_ =	shalt  }
0x46: {  	_ =	shalt  }
0x47: {  	_ =	shalt  }
0x48: {  	_ =	shalt  }
0x49: {  	_ =	shalt  }
0x4a: {  	_ =	shalt  }
0x4b: {  	_ =	shalt  }
0x4c: {  	_ =	shalt  }
0x4d: {  	_ =	shalt  }
0x4e: {  	_ =	shalt  }
0x4f: {  	_ =	shalt  }
0x50: {  	_ =	shalt  }
0x51: {  	_ =	shalt  }
0x52: {  	_ =	shalt  }
0x53: {  	_ =	shalt  }
0x54: {  	_ =	shalt  }
0x55: {  	_ =	shalt  }
0x56: {  	_ =	shalt  }
0x57: {  	_ =	shalt  }
0x58: {  	_ =	shalt  }
0x59: {  	_ =	shalt  }
0x5a: {  	_ =	shalt  }
0x5b: {  	_ =	shalt  }
0x5c: {  	_ =	shalt  }
0x5d: {  	_ =	shalt  }
0x5e: {  	_ =	shalt  }
0x5f: {  	_ =	shalt  }
0x60: {  	_ =	shalt  }
0x61: {  	_ =	shalt  }
0x62: {  	_ =	shalt  }
0x63: {  	_ =	shalt  }
0x64: {  	_ =	shalt  }
0x65: {  	_ =	shalt  }
0x66: {  	_ =	shalt  }
0x67: {  	_ =	shalt  }
0x68: {  	_ =	shalt  }
0x69: {  	_ =	shalt  }
0x6a: {  	_ =	shalt  }
0x6b: {  	_ =	shalt  }
0x6c: {  	_ =	shalt  }
0x6d: {  	_ =	shalt  }
0x6e: {  	_ =	shalt  }
0x6f: {  	_ =	shalt  }
0x70: {  	_ =	shalt  }
0x71: {  	_ =	shalt  }
0x72: {  	_ =	shalt  }
0x73: {  	_ =	shalt  }
0x74: {  	_ =	shalt  }
0x75: {  	_ =	shalt  }
0x76: {  	_ =	shalt  }
0x77: {  	_ =	shalt  }
0x78: {  	_ =	shalt  }
0x79: {  	_ =	shalt  }
0x7a: {  	_ =	shalt  }
0x7b: {  	_ =	shalt  }
0x7c: {  	_ =	shalt  }
0x7d: {  	_ =	shalt  }
0x7e: {  	_ =	shalt  }
0x7f: {  	_ =	shalt  }
0x80: {  	_ =	shalt  }
0x81: {  	_ =	shalt  }
0x82: {  	_ =	shalt  }
0x83: {  	_ =	shalt  }
0x84: {  	_ =	shalt  }
0x85: {  	_ =	shalt  }
0x86: {  	_ =	shalt  }
0x87: {  	_ =	shalt  }
.Lfunc_end0:
.L_simem_size_0:
called_computation_lowered:
.L_overlay_start_0:
0x88: {  	s2 =	sld [smem:$0x3FD9]  }
0x89: {  	s3 =	sld [smem:$0x3FFE];
	_ =	sdelay $0x1  }
0x8a: {  	s1 =	srdreg.scid  }
0x8b: {  	s0 =	sand.u32 $0x1, s1  }
0x8c: {  	s17 =	sshll.u32 s0, $0xA;
	s2 =	sadd.s32 s3, s2  }
0x8d: {  	s2 =	sadd.s32 s2, s17  }
0x8e: {  	[smem:$0x3FBA] =	sst s2  }
0x8f: {  	_ = 	snop  }
0x90: {  	s2 =	sld [smem:$0x3FC4]  }
0x91: {  	s18 =	sld [smem:$0x3FD0];
	(tm) =	ssettm $0x1  }
0x92: {  	s4 =	sld [smem:$0x3FFB];
	_ =	sdelay $0x3  }
0x93: {  	_ =	strace s4  }
0x94: {  	s4 =	sld [smem:$0x3FFC];
	_ =	sdelay $0x3  }
0x95: {  	_ =	strace s4  }
0x96: {  	s4 =	sld [smem:$0x3FFD];
	_ =	sdelay $0x3  }
0x97: {  	_ =	strace s4  }
0x98: {  	_ =	strace $0x8FFFFFFF  }
0x99: {  	s19 =	sld [smem:$0x3FDB];
	_ =	sdelay $0x1  }
0x9a: {  	s5 =	simm.s32 $_scs_section_size  }
0x9b: {  	s6 =	simm.s32 $_size__tile_overlayer_lowered;
	s7 =	simm.s32 $_tile_overlayer_lowered  }
0x9c: {  	s22 =	simm.s32 $0x1BFF;
	s21 =	sshll.u32 s7, $0x1;
	s4 =	sadd.s32 s5, s19  }
0x9d: {  	s8 =	simm.s32 $0x0;
	s20 =	sshll.u32 s6, $0x1;
	s6 =	sadd.s32 s21, s4  }
0x9e: {  	[timem:s8], [sflag:s22] =	dma.local [hbm:s6], s20  }
0x9f: {  	_ =	swait.ge [sflag:s22], s20  }
0xa0: {  	s5 =	ssub.s32 $0x0, s20;
	[sflag:s22] =	ssyncset.done $0x0  }
0xa1: {  	[sflag:s22] =	ssyncadd.s32 s5;
	_ =	sdelay $0x1  }
0xa2: {  	s23 =	simm.s32 $0x1B8B  }
0xa3: {  	_ =	swait.ge [sflag:s23], $0x1  }
0xa4: {  	[sflag:s23] =	ssyncset.done $0x0  }
0xa5: {  	s25 =	simm.s32 $0x1B8E;
	s24 =	sld [smem:$0x3FFE];
	[sflag:s23] =	ssyncadd.s32 $0xFFFFFFFF  }
0xa6: {  	s26 =	simm.s32 $execute0_lowered;
	[smem:$0x3FD2] =	sst s25  }
0xa7: {  	s6 =	sshll.u32 s26, $0x1;
	_ =	strace $0x80000046;
	[dreg:$0x1] =	wrdreg $0xFFFFFFFF  }
0xa8: {  	s28 =	simm.s32 $_size_execute0_lowered;
	s4 =	sadd.s32 s4, s6;
	[dreg:$0x0] =	wrdreg $0x0  }
0xa9: {  	s6 =	sshll.u32 s28, $0x1;
	[dreg:$0x2] =	wrdreg s4  }
0xaa: {  	[dreg:$0x3] =	wrdreg s6  }
0xab: {  	[dreg:$0x4] =	wrdreg $0xC0  }
0xac: {  	_ =	task [dreg:s8], $0x5FFFF  }
0xad: {  	[dreg:$0x1] =	wrdreg $0xFFFFFFFF  }
0xae: {  	[dreg:$0x0] =	wrdreg $0x60  }
0xaf: {  	[dreg:$0x2] =	wrdreg s2  }
0xb0: {  	[dreg:$0x3] =	wrdreg s24  }
0xb1: {  	[dreg:$0x4] =	wrdreg s18  }
0xb2: {  	[dreg:$0x5] =	wrdreg $0x9  }
0xb3: {  	_ =	task.clear_ibuf [dreg:s8], $0x6FFFF;
	_ =	strace $0x90000046  }
0xb4: {  	s29 =	simm.s32 $0x9;
	_ =	strace $0x80000048  }
0xb5: {  	_ =	swait.ge [sflag:s29], $0x1  }
0xb6: {  	[sflag:s29] =	ssyncadd.s32 $0xFFFFFFFF  }
0xb7: {  	_ =	strace $0x90000048  }
0xb8: {  	_ =	sfence  }
0xb9: {  	s30 =	sld [smem:$0x0];
	_ =	sdelay $0x2  }
0xba: {  	s31 =	sshll.u32 s1, $0xD;
	s1 =	sshrl.u32 s1, $0x2  }
0xbb: {  	s3 =	sand.u32 $0x4000, s31;
	s1 =	sadd.s32 s1, s30  }
0xbc: {  	s0 =	sor.u32 s3, s0;
	s1 =	sshll.u32 s1, $0x11  }
0xbd: {  	s0 =	sor.u32 s1, s0  }
0xbe: {  	s0 =	sadd.s32 $0x8F2B, s0  }
0xbf: {  	[sflag:s0] =	ssyncadd.remote.s32 $0x1  }
0xc0: {  	_ =	sfence.sel $0xFFFF  }
0xc1: {  	[dreg:$0x0] =	wrdreg $0xFFFFFFFF;
	(pc) =	sbr.abs _section_cstart, $3  }
0xc2: {  	[dreg:$0x1] =	wrdreg $0xFFFFFFFF  }
0xc3: {  	_ =	task.clear_ibuf [dreg:s8], $0x2FFFF;
	_ =	strace $0x9FFFFFFF  }
0xc4: {  	(tm) =	ssettm $0x7FFFFFFF  }
0xc5: {  	_ =	shalt  }
tec
execute0_lowered:
.L_overlay_start_1:
0x0: {  	(tag) =	ssettag $0x1  }
0x1: {  	s1 =	rddreg [dreg:$0x0]  }
0x2: {  	s2 =	srdreg.scid;
	s4 =	rddreg [dreg:$0x1]  }
0x3: {  	s0 =	stileid.u32;
	s6 =	rddreg [dreg:$0x2]  }
0x4: {  	s18 =	simm.s32 $0x880;
	s19 =	simm.s32 $0x1080;
	s20 =	simm.s32 $0x1880  }
0x5: {  	s21 =	simm.s32 $0x2080;
	s23 =	simm.s32 $0x2880;
	s24 =	simm.s32 $0x3080  }
0x6: {  	s25 =	simm.s32 $0x3880;
	s26 =	simm.s32 $0x4080;
	s9 =	simm.s32 $0x5080  }
0x7: {  	s10 =	simm.s32 $0x5880;
	s11 =	simm.s32 $0x6080;
	s12 =	simm.s32 $0x6880  }
0x8: {  	s13 =	simm.s32 $0x7080;
	s14 =	simm.s32 $0x7880;
	s2 =	sand.u32 $0x1, s2  }
0x9: {  	s15 =	simm.s32 $0x8080;
	s3 =	sshll.u32 s0, $0x8;
	s5 =	sshll.u32 s2, $0x7  }
0xa: {  	s16 =	simm.s32 $0x8880;
	s5 =	sor.u32 s5, s3;
	s3 =	simm.s32 $0x0  }
0xb: {  	s28 =	simm.s32 $0xE080;
	s29 =	simm.s32 $0xE880;
	[smem:$0x7FF] =	sst s3  }
0xc: {  	s30 =	simm.s32 $0xF080;
	_ =	strace $0x80000047;
	[dreg:$0x6] =	wrdreg s18  }
0xd: {  	s31 =	simm.s32 $0xF880;
	s2 =	ssub.s32 $0x2, s2;
	[dreg:$0x7] =	wrdreg s19  }
0xe: {  	s22 =	sshrl.u32 s2, $0x1;
	s7 =	sshrl.u32 s5, $0x3;
	[dreg:$0x8] =	wrdreg s20  }
0xf: {  	s5 =	sshll.u32 s5, $0x6;
	s2 =	ssub.s32 s2, s22;
	[dreg:$0x9] =	wrdreg s21  }
0x10: {  	s22 =	simm.s32 $0xB880;
	s4 =	sadd.s32 s7, s4;
	[dreg:$0xa] =	wrdreg s23  }
0x11: {  	s17 =	sadd.s32 s6, s5;
	[dreg:$0xb] =	wrdreg s24;
	s5 =	smax.u32 s2, $0x1  }
0x12: {  	[dreg:$0xc] =	wrdreg s25;
	s6 =	simm.s32 $0x2;
	s7 =	simm.s32 $0x80  }
0x13: {  	[dreg:$0xd] =	wrdreg s26;
	s18 =	simm.s32 $0x9880;
	s19 =	simm.s32 $0xA080  }
0x14: {  	s20 =	simm.s32 $0xA880;
	s21 =	simm.s32 $0xB080;
	s23 =	simm.s32 $0xC080  }
0x15: {  	v2 =	vlaneseq.u32;
	s24 =	simm.s32 $0xC880;
	s25 =	simm.s32 $0xD080;
	s26 =	simm.s32 $0xD880  }
0x16: {  	vm0 =	vmmov $0xffff;
	v1 =	vshrl.u32 v2, $0x3;
	s2 =	simm.s32 $0x1;
	s4 =	sadd.s32 $0x3200, s4;
	[dreg:$0x5] =	wrdreg s17  }
0x17: {  	v0 =	vand.u32 $0x7, v2;
	v2 =	vor.u32 $0x8, v2;
	v1 =	vmul.u32 $0x8, v1;
	s17 =	simm.s32 $0x9080;
	[dreg:$0x4] =	wrdreg s4;
	s4 =	sadd.s32 $0x100, s1  }
.LBB2_1:
0x18: {  	s0 =	rddreg [dreg:$0x4]  }
0x19: {  	[tilespmem:s3], [sflag:$0x2] =	stream.linear.gather [hbm4b:s0+s3], $0x80, $0x38;
	[tilespmem:$0x10080] =	vst v63  }
0x1a: {  	_ =	swait.ge [sflag:s6], $0x80  }
0x1b: {  	[sflag:s6] =	ssyncset.done $0x0  }
0x1c: {  	[sflag:s6] =	ssyncadd.s32 $0xFFFFFF80  }
0x1d: {  	v3 =	vld [tilespmem:$0x0];
	_ =	sdelay $0x4  }
0x1e: {  	v4 =	vshll.u32 v3, $0x2  }
0x1f: {  	v3 =	vand.u32 $0x7, v3;
	v4 =	vand.u32 $0xFFFFFFE0, v4  }
0x20: {  	v3 =	vor.u32 v3, v4  }
0x21: {  	v4 =	vperm.xlane v3, v0;
	_ =	sdelay $0x1  }
0x22: {  	v4 =	vadd.s32 v1, v4;
	_ =	sdelay $0x1  }
0x23: {  	v3 =	vperm.xlane v3, v2;
	_ =	sdelay $0x1  }
0x24: {  	v3 =	vadd.s32 v1, v3  }
0x25: {  	[tilespmem:s7], [sflag:$0x1] =	stream.indirect_vreg.gather [hbm4b:s1+s3], $0x80, v4, vm0, $0xb8;
	[tilespmem:$0x10080] =	vst v63  }
0x26: {  	s0 =	rddreg [dreg:$0x6]  }
0x27: {  	[tilespmem:s0], [sflag:$0x1] =	stream.indirect_vreg.gather [hbm4b:s4+s3], $0x80, v4, vm0, $0xb8;
	[tilespmem:$0x10080] =	vst v63  }
0x28: {  	s8 =	rddreg [dreg:$0x7]  }
0x29: {  	[tilespmem:s8], [sflag:$0x1] =	stream.indirect_vreg.gather [hbm4b:s1+s3], $0x80, v3, vm0, $0xb8;
	[tilespmem:$0x10080] =	vst v63  }
0x2a: {  	s0 =	rddreg [dreg:$0x8]  }
0x2b: {  	[tilespmem:s0], [sflag:$0x1] =	stream.indirect_vreg.gather [hbm4b:s4+s3], $0x80, v3, vm0, $0xb8;
	[tilespmem:$0x10080] =	vst v63  }
0x2c: {  	v3 =	vld [tilespmem:$0x10];
	_ =	sdelay $0x4  }
0x2d: {  	v57 =	vshll.u32 v3, $0x2  }
0x2e: {  	v3 =	vand.u32 $0x7, v3;
	v4 =	vand.u32 $0xFFFFFFE0, v57  }
0x2f: {  	v3 =	vor.u32 v3, v4  }
0x30: {  	v4 =	vperm.xlane v3, v0;
	_ =	sdelay $0x1  }
0x31: {  	v4 =	vadd.s32 v1, v4;
	_ =	sdelay $0x1  }
0x32: {  	v3 =	vperm.xlane v3, v2;
	_ =	sdelay $0x1  }
0x33: {  	s0 =	rddreg [dreg:$0x9];
	v3 =	vadd.s32 v1, v3  }
0x34: {  	[tilespmem:s0], [sflag:$0x1] =	stream.indirect_vreg.gather [hbm4b:s1+s3], $0x80, v4, vm0, $0xb8;
	[tilespmem:$0x10080] =	vst v63  }
0x35: {  	s8 =	rddreg [dreg:$0xa]  }
0x36: {  	[tilespmem:s8], [sflag:$0x1] =	stream.indirect_vreg.gather [hbm4b:s4+s3], $0x80, v4, vm0, $0xb8;
	[tilespmem:$0x10080] =	vst v63  }
0x37: {  	s0 =	rddreg [dreg:$0xb]  }
0x38: {  	[tilespmem:s0], [sflag:$0x1] =	stream.indirect_vreg.gather [hbm4b:s1+s3], $0x80, v3, vm0, $0xb8;
	[tilespmem:$0x10080] =	vst v63  }
0x39: {  	s8 =	rddreg [dreg:$0xc]  }
0x3a: {  	[tilespmem:s8], [sflag:$0x1] =	stream.indirect_vreg.gather [hbm4b:s4+s3], $0x80, v3, vm0, $0xb8;
	[tilespmem:$0x10080] =	vst v63  }
0x3b: {  	v3 =	vld [tilespmem:$0x20];
	_ =	sdelay $0x4  }
0x3c: {  	v58 =	vshll.u32 v3, $0x2  }
0x3d: {  	v3 =	vand.u32 $0x7, v3;
	v4 =	vand.u32 $0xFFFFFFE0, v58  }
0x3e: {  	v3 =	vor.u32 v3, v4  }
0x3f: {  	v4 =	vperm.xlane v3, v0;
	_ =	sdelay $0x1  }
0x40: {  	v4 =	vadd.s32 v1, v4;
	_ =	sdelay $0x1  }
0x41: {  	v3 =	vperm.xlane v3, v2;
	_ =	sdelay $0x1  }
0x42: {  	s8 =	rddreg [dreg:$0xd];
	v3 =	vadd.s32 v1, v3  }
0x43: {  	[tilespmem:s8], [sflag:$0x1] =	stream.indirect_vreg.gather [hbm4b:s1+s3], $0x80, v4, vm0, $0xb8;
	[tilespmem:$0x10080] =	vst v63  }
0x44: {  	s8 =	simm.s32 $0x4880  }
0x45: {  	[tilespmem:s8], [sflag:$0x1] =	stream.indirect_vreg.gather [hbm4b:s4+s3], $0x80, v4, vm0, $0xb8;
	[tilespmem:$0x10080] =	vst v63  }
0x46: {  	_ = 	snop  }
0x47: {  	[tilespmem:s9], [sflag:$0x1] =	stream.indirect_vreg.gather [hbm4b:s1+s3], $0x80, v3, vm0, $0xb8;
	[tilespmem:$0x10080] =	vst v63  }
0x48: {  	_ = 	snop  }
0x49: {  	[tilespmem:s10], [sflag:$0x1] =	stream.indirect_vreg.gather [hbm4b:s4+s3], $0x80, v3, vm0, $0xb8;
	[tilespmem:$0x10080] =	vst v63  }
0x4a: {  	v3 =	vld [tilespmem:$0x30];
	_ =	sdelay $0x4  }
0x4b: {  	v59 =	vshll.u32 v3, $0x2  }
0x4c: {  	v3 =	vand.u32 $0x7, v3;
	v4 =	vand.u32 $0xFFFFFFE0, v59  }
0x4d: {  	v3 =	vor.u32 v3, v4  }
0x4e: {  	v4 =	vperm.xlane v3, v0;
	_ =	sdelay $0x1  }
0x4f: {  	v4 =	vadd.s32 v1, v4;
	_ =	sdelay $0x1  }
0x50: {  	v3 =	vperm.xlane v3, v2;
	_ =	sdelay $0x1  }
0x51: {  	v3 =	vadd.s32 v1, v3  }
0x52: {  	[tilespmem:s11], [sflag:$0x1] =	stream.indirect_vreg.gather [hbm4b:s1+s3], $0x80, v4, vm0, $0xb8;
	[tilespmem:$0x10080] =	vst v63  }
0x53: {  	_ = 	snop  }
0x54: {  	[tilespmem:s12], [sflag:$0x1] =	stream.indirect_vreg.gather [hbm4b:s4+s3], $0x80, v4, vm0, $0xb8;
	[tilespmem:$0x10080] =	vst v63  }
0x55: {  	_ = 	snop  }
0x56: {  	[tilespmem:s13], [sflag:$0x1] =	stream.indirect_vreg.gather [hbm4b:s1+s3], $0x80, v3, vm0, $0xb8;
	[tilespmem:$0x10080] =	vst v63  }
0x57: {  	_ = 	snop  }
0x58: {  	[tilespmem:s14], [sflag:$0x1] =	stream.indirect_vreg.gather [hbm4b:s4+s3], $0x80, v3, vm0, $0xb8;
	[tilespmem:$0x10080] =	vst v63  }
0x59: {  	v3 =	vld [tilespmem:$0x40];
	_ =	sdelay $0x4  }
0x5a: {  	v60 =	vshll.u32 v3, $0x2  }
0x5b: {  	v3 =	vand.u32 $0x7, v3;
	v4 =	vand.u32 $0xFFFFFFE0, v60  }
0x5c: {  	v3 =	vor.u32 v3, v4  }
0x5d: {  	v4 =	vperm.xlane v3, v0;
	_ =	sdelay $0x1  }
0x5e: {  	v4 =	vadd.s32 v1, v4;
	_ =	sdelay $0x1  }
0x5f: {  	v3 =	vperm.xlane v3, v2;
	_ =	sdelay $0x1  }
0x60: {  	v3 =	vadd.s32 v1, v3  }
0x61: {  	[tilespmem:s15], [sflag:$0x1] =	stream.indirect_vreg.gather [hbm4b:s1+s3], $0x80, v4, vm0, $0xb8;
	[tilespmem:$0x10080] =	vst v63  }
0x62: {  	_ = 	snop  }
0x63: {  	[tilespmem:s16], [sflag:$0x1] =	stream.indirect_vreg.gather [hbm4b:s4+s3], $0x80, v4, vm0, $0xb8;
	[tilespmem:$0x10080] =	vst v63  }
0x64: {  	_ = 	snop  }
0x65: {  	[tilespmem:s17], [sflag:$0x1] =	stream.indirect_vreg.gather [hbm4b:s1+s3], $0x80, v3, vm0, $0xb8;
	[tilespmem:$0x10080] =	vst v63  }
0x66: {  	_ = 	snop  }
0x67: {  	[tilespmem:s18], [sflag:$0x1] =	stream.indirect_vreg.gather [hbm4b:s4+s3], $0x80, v3, vm0, $0xb8;
	[tilespmem:$0x10080] =	vst v63  }
0x68: {  	v3 =	vld [tilespmem:$0x50];
	_ =	sdelay $0x4  }
0x69: {  	v61 =	vshll.u32 v3, $0x2  }
0x6a: {  	v3 =	vand.u32 $0x7, v3;
	v4 =	vand.u32 $0xFFFFFFE0, v61  }
0x6b: {  	v3 =	vor.u32 v3, v4  }
0x6c: {  	v4 =	vperm.xlane v3, v0;
	_ =	sdelay $0x1  }
0x6d: {  	v4 =	vadd.s32 v1, v4;
	_ =	sdelay $0x1  }
0x6e: {  	v3 =	vperm.xlane v3, v2;
	_ =	sdelay $0x1  }
0x6f: {  	v3 =	vadd.s32 v1, v3  }
0x70: {  	[tilespmem:s19], [sflag:$0x1] =	stream.indirect_vreg.gather [hbm4b:s1+s3], $0x80, v4, vm0, $0xb8;
	[tilespmem:$0x10080] =	vst v63  }
0x71: {  	_ = 	snop  }
0x72: {  	[tilespmem:s20], [sflag:$0x1] =	stream.indirect_vreg.gather [hbm4b:s4+s3], $0x80, v4, vm0, $0xb8;
	[tilespmem:$0x10080] =	vst v63  }
0x73: {  	_ = 	snop  }
0x74: {  	[tilespmem:s21], [sflag:$0x1] =	stream.indirect_vreg.gather [hbm4b:s1+s3], $0x80, v3, vm0, $0xb8;
	[tilespmem:$0x10080] =	vst v63  }
0x75: {  	_ = 	snop  }
0x76: {  	[tilespmem:s22], [sflag:$0x1] =	stream.indirect_vreg.gather [hbm4b:s4+s3], $0x80, v3, vm0, $0xb8;
	[tilespmem:$0x10080] =	vst v63  }
0x77: {  	v3 =	vld [tilespmem:$0x60];
	_ =	sdelay $0x4  }
0x78: {  	v62 =	vshll.u32 v3, $0x2  }
0x79: {  	v3 =	vand.u32 $0x7, v3;
	v4 =	vand.u32 $0xFFFFFFE0, v62  }
0x7a: {  	v3 =	vor.u32 v3, v4  }
0x7b: {  	v4 =	vperm.xlane v3, v0;
	_ =	sdelay $0x1  }
0x7c: {  	v4 =	vadd.s32 v1, v4;
	_ =	sdelay $0x1  }
0x7d: {  	v3 =	vperm.xlane v3, v2;
	_ =	sdelay $0x1  }
0x7e: {  	v3 =	vadd.s32 v1, v3  }
0x7f: {  	[tilespmem:s23], [sflag:$0x1] =	stream.indirect_vreg.gather [hbm4b:s1+s3], $0x80, v4, vm0, $0xb8;
	[tilespmem:$0x10080] =	vst v63  }
0x80: {  	_ = 	snop  }
0x81: {  	[tilespmem:s24], [sflag:$0x1] =	stream.indirect_vreg.gather [hbm4b:s4+s3], $0x80, v4, vm0, $0xb8;
	[tilespmem:$0x10080] =	vst v63  }
0x82: {  	_ = 	snop  }
0x83: {  	[tilespmem:s25], [sflag:$0x1] =	stream.indirect_vreg.gather [hbm4b:s1+s3], $0x80, v3, vm0, $0xb8;
	[tilespmem:$0x10080] =	vst v63  }
0x84: {  	_ = 	snop  }
0x85: {  	[tilespmem:s26], [sflag:$0x1] =	stream.indirect_vreg.gather [hbm4b:s4+s3], $0x80, v3, vm0, $0xb8;
	[tilespmem:$0x10080] =	vst v63  }
0x86: {  	v3 =	vld [tilespmem:$0x70];
	_ =	sdelay $0x4  }
0x87: {  	v63 =	vshll.u32 v3, $0x2  }
0x88: {  	v3 =	vand.u32 $0x7, v3;
	v4 =	vand.u32 $0xFFFFFFE0, v63  }
0x89: {  	v3 =	vor.u32 v3, v4  }
0x8a: {  	v4 =	vperm.xlane v3, v0;
	_ =	sdelay $0x1  }
0x8b: {  	v4 =	vadd.s32 v1, v4;
	_ =	sdelay $0x1  }
0x8c: {  	v3 =	vperm.xlane v3, v2;
	_ =	sdelay $0x1  }
0x8d: {  	v3 =	vadd.s32 v1, v3  }
0x8e: {  	[tilespmem:s28], [sflag:$0x1] =	stream.indirect_vreg.gather [hbm4b:s1+s3], $0x80, v4, vm0, $0xb8;
	[tilespmem:$0x10080] =	vst v63  }
0x8f: {  	_ = 	snop  }
0x90: {  	[tilespmem:s29], [sflag:$0x1] =	stream.indirect_vreg.gather [hbm4b:s4+s3], $0x80, v4, vm0, $0xb8;
	[tilespmem:$0x10080] =	vst v63  }
0x91: {  	_ = 	snop  }
0x92: {  	[tilespmem:s30], [sflag:$0x1] =	stream.indirect_vreg.gather [hbm4b:s1+s3], $0x80, v3, vm0, $0xb8;
	[tilespmem:$0x10080] =	vst v63  }
0x93: {  	_ = 	snop  }
0x94: {  	[tilespmem:s31], [sflag:$0x1] =	stream.indirect_vreg.gather [hbm4b:s4+s3], $0x80, v3, vm0, $0xb8;
	[tilespmem:$0x10080] =	vst v63  }
0x95: {  	_ =	swait.ge [sflag:s2], $0x10000  }
0x96: {  	p0 =	sne.s32 s5, $0x1;
	[sflag:s2] =	ssyncset.done $0x0  }
.Ltmp0:
0x97: {  	s8 =	rddreg [dreg:$0x5];
	[sflag:s2] =	ssyncadd.s32 $0xFFFF0000;
	(pc) =	sbr.rel @p0 .LBB2_1-.Ltmp0, $4  }
0x98: {  	[hbm4b:s8+s3] =	stream.linear.scatter [tilespmem:s7], [sflag:$0x2], $0x10000, $0x38;
	[tilespmem:$0x10080] =	vst v63  }
0x99: {  	_ =	swait.ge [sflag:s6], $0x10000  }
0x9a: {  	[sflag:s6] =	ssyncset.done $0x0  }
0x9b: {  	s5 =	sadd.s32 $0xFFFFFFFF, s5;
	[sflag:s6] =	ssyncadd.s32 $0xFFFF0000  }
0x9c: {  	_ =	sfence.sel $0x180000  }
0x9d: {  	[bflag:$0x0] =	sbarrier.arrive $0xFFFF  }
0x9e: {  	_ =	strace $0x90000047  }
0x9f: {  	s0 =	stileid.u32;
	[bflag:$0x2] =	sbarrier.arrive $0xFFFF  }
0xa0: {  	p0 =	sne.s32 s0, $0x0;
	s0 =	rddreg [dreg:$0x3]  }
0xa1: {  	s0 =	sadd.s32 @!p0 $0x100000, s0  }
0xa2: {  	[sflag:s0] =	ssyncadd.tile.s32 @!p0 $0x1;
	_ =	shalt  }
.Lfunc_end2:
_tile_overlayer_lowered:
.L_overlay_start_2:
0xa3: {  	(tag) =	ssettag $0x2  }
0xa4: {  	s0 =	rddreg [dreg:$0x0];
	s2 =	stileid.u32  }
0xa5: {  	s1 =	rddreg [dreg:$0x1];
	p0 =	sne.s32 s2, $0x0  }
0xa6: {  	s3 =	rddreg [dreg:$0x2];
	[bflag:$0x3] =	sbarrier.arrive $0xFFFF;
	s2 =	simm.s32 @!p0 $0x1C02  }
0xa7: {  	[timem:s3], [sflag:s2] =	dma.local @!p0 [hbm:s0], s1  }
0xa8: {  	s0 =	simm.s32 @!p0 $0x2  }
0xa9: {  	_ =	swait.ge @!p0 [sflag:s0], s1  }
0xaa: {  	s1 =	ssub.s32 @!p0 $0x0, s1;
	[sflag:s0] =	ssyncset.done @!p0 $0x0  }
0xab: {  	[sflag:s0] =	ssyncadd.s32 @!p0 s1  }
0xac: {  	[bflag:$0x3] =	sbarrier.arrive $0xFFFF  }
0xad: {  	_ =	shalt  }

</sc_bundles>
